<compile_context>
chip_gen: v7x
topology: tpu7x:2x2x1
jax: 0.10.2.dev20260603
libtpu: 0.0.44.dev20260713+nightly
codegen_flags: <defaults>
</compile_context>

<pallas_src>
import functools

import jax
import jax.numpy as jnp
from jax import lax
from jax.experimental import pallas as pl
from jax.experimental.pallas import tpu as pltpu
from jax.experimental.pallas import tpu_sc as plsc

N = 10000
D = 128
E = 320000
CHUNK = 128
CHUNKS = 2560
E_PAD = CHUNKS * CHUNK
N_PAD = 10112
NC, NS = 2, 16
NW = NC * NS
CPW = CHUNKS // NW
RPT = N_PAD // NS


def _sc_agg_body(h_hbm, src_hbm, dst_hbm, zeros_hbm, out_hbm,
                 sidx, didx, rows, acc, sem):
    c = lax.axis_index("c")
    s = lax.axis_index("s")
    wid = c * NS + s
    r0 = s * RPT
    pltpu.sync_copy(zeros_hbm.at[pl.ds(r0, RPT)], acc.at[pl.ds(r0, RPT)])
    plsc.subcore_barrier()

    @pl.loop(0, CPW)
    def _(i):
        e0 = (wid * CPW + i) * CHUNK
        pltpu.sync_copy(src_hbm.at[pl.ds(e0, CHUNK)], sidx)
        pltpu.sync_copy(dst_hbm.at[pl.ds(e0, CHUNK)], didx)
        pltpu.async_copy(h_hbm.at[sidx], rows, sem).wait()
        pltpu.sync_copy(rows, acc.at[didx], add=True)

    plsc.subcore_barrier()
    pltpu.sync_copy(acc.at[pl.ds(r0, RPT)], out_hbm.at[c].at[pl.ds(r0, RPT)])


def _make_sc_agg(width):
    mesh = plsc.VectorSubcoreMesh(core_axis_name="c", subcore_axis_name="s")
    return pl.kernel(
        _sc_agg_body,
        out_type=jax.ShapeDtypeStruct((NC, N_PAD, width), jnp.float32),
        mesh=mesh,
        scratch_types=[
            pltpu.VMEM((CHUNK,), jnp.int32),
            pltpu.VMEM((CHUNK,), jnp.int32),
            pltpu.VMEM((CHUNK, width), jnp.float32),
            pltpu.VMEM_SHARED((N_PAD, width), jnp.float32),
            pltpu.SemaphoreType.DMA,
        ],
    )


_sc_agg128 = _make_sc_agg(D)


def _sc_deg_body(dst_hbm, out_hbm, didx, deg_local, tmp_v, acc_v, shared):
    c = lax.axis_index("c")
    s = lax.axis_index("s")
    wid = c * NS + s

    @pl.loop(0, N_PAD, step=16)
    def _(j):
        deg_local[pl.ds(j, 16)] = jnp.zeros((16,), jnp.float32)

    @pl.loop(0, CPW)
    def _(i):
        e0 = (wid * CPW + i) * CHUNK
        pltpu.sync_copy(dst_hbm.at[pl.ds(e0, CHUNK)], didx)

        @pl.loop(0, CHUNK, step=16)
        def _(j):
            idx = didx[pl.ds(j, 16)]
            plsc.addupdate_scatter(deg_local, [idx], jnp.ones((16,), jnp.float32))

    pltpu.sync_copy(deg_local, shared.at[s].at[0])
    plsc.subcore_barrier()
    col0 = s * RPT
    pltpu.sync_copy(shared.at[0].at[0].at[pl.ds(col0, RPT)], acc_v)

    @pl.loop(1, NS)
    def _(w):
        pltpu.sync_copy(shared.at[w].at[0].at[pl.ds(col0, RPT)], tmp_v)

        @pl.loop(0, RPT, step=16)
        def _(j):
            acc_v[pl.ds(j, 16)] = acc_v[pl.ds(j, 16)] + tmp_v[pl.ds(j, 16)]

    pltpu.sync_copy(acc_v, out_hbm.at[c].at[0].at[pl.ds(col0, RPT)])


_sc_deg = pl.kernel(
    _sc_deg_body,
    out_type=jax.ShapeDtypeStruct((NC, 1, N_PAD), jnp.float32),
    mesh=plsc.VectorSubcoreMesh(core_axis_name="c", subcore_axis_name="s"),
    scratch_types=[
        pltpu.VMEM((CHUNK,), jnp.int32),
        pltpu.VMEM((N_PAD,), jnp.float32),
        pltpu.VMEM((RPT,), jnp.float32),
        pltpu.VMEM((RPT,), jnp.float32),
        pltpu.VMEM_SHARED((NS, 1, N_PAD), jnp.float32),
    ],
    compiler_params=pltpu.CompilerParams(needs_layout_passes=False),
)


_BLK = 1000
_GRID = N // _BLK


def _leaky(v):
    return jnp.where(v >= 0, v, 0.01 * v)


def _dinv(p0_ref, p1_ref):
    deg = p0_ref[:, 0:1] + p1_ref[:, 0:1] + 1.0
    return lax.rsqrt(deg)


def _tc_pre_body(x_ref, w1_ref, p0_ref, p1_ref, h1p_ref):
    dinv = _dinv(p0_ref, p1_ref)
    h1 = jnp.dot(x_ref[...], w1_ref[...], preferred_element_type=jnp.float32)
    h1p_ref[...] = dinv * h1


def _tc_mid_body(x_ref, q0_ref, q1_ref, h1p_ref, p0_ref, p1_ref, b1_ref,
                 w2a_ref, w2b_ref, h2p_ref):
    dinv = _dinv(p0_ref, p1_ref)
    y = dinv * (q0_ref[...] + q1_ref[...] + h1p_ref[...]) + b1_ref[...]
    h2 = jnp.dot(_leaky(x_ref[...]), w2a_ref[...],
                 preferred_element_type=jnp.float32)
    h2 += jnp.dot(_leaky(y), w2b_ref[...], preferred_element_type=jnp.float32)
    h2p_ref[...] = dinv * h2


def _tc_post_body(r0_ref, r1_ref, h2p_ref, p0_ref, p1_ref, b2_ref, wo_ref,
                  bo_ref, a_ref):
    dinv = _dinv(p0_ref, p1_ref)
    z = _leaky(dinv * (r0_ref[...] + r1_ref[...] + h2p_ref[...]) + b2_ref[...])
    a_ref[...] = jnp.dot(z, wo_ref[...],
                         preferred_element_type=jnp.float32) + bo_ref[...]


def _row_spec(width):
    return pl.BlockSpec((_BLK, width), lambda i: (i, 0))


def _full_spec(shape):
    return pl.BlockSpec(shape, lambda i: (0,) * len(shape))


_tc_pre = pl.pallas_call(
    _tc_pre_body,
    grid=(_GRID,),
    in_specs=[_row_spec(D), _full_spec((D, D)), _row_spec(1), _row_spec(1)],
    out_specs=_row_spec(D),
    out_shape=jax.ShapeDtypeStruct((N, D), jnp.float32),
)

_tc_mid = pl.pallas_call(
    _tc_mid_body,
    grid=(_GRID,),
    in_specs=[_row_spec(D), _row_spec(D), _row_spec(D), _row_spec(D),
              _row_spec(1), _row_spec(1), _full_spec((1, D)),
              _full_spec((D, D)), _full_spec((D, D))],
    out_specs=_row_spec(D),
    out_shape=jax.ShapeDtypeStruct((N, D), jnp.float32),
)

_tc_post = pl.pallas_call(
    _tc_post_body,
    grid=(_GRID,),
    in_specs=[_row_spec(D), _row_spec(D), _row_spec(D),
              _row_spec(1), _row_spec(1), _full_spec((1, D)),
              _full_spec((D, D)), _full_spec((1, D))],
    out_specs=_row_spec(D),
    out_shape=jax.ShapeDtypeStruct((N, D), jnp.float32),
)


def kernel(x, edge_index, W1, b1, W2, b2, Wo, bo):
    src = edge_index[0].astype(jnp.int32)
    dst = edge_index[1].astype(jnp.int32)
    npad = E_PAD - E
    src_p = jnp.concatenate([src, jnp.zeros((npad,), jnp.int32)])
    dst_p = jnp.concatenate([dst, jnp.full((npad,), N, jnp.int32)])
    zeros128 = jnp.zeros((N_PAD, D), jnp.float32)

    degp = _sc_deg(dst_p)
    p0 = degp[0, 0, :N, None]
    p1 = degp[1, 0, :N, None]

    h1p = _tc_pre(x, W1, p0, p1)
    agg1 = _sc_agg128(h1p, src_p, dst_p, zeros128)
    h2p = _tc_mid(x, agg1[0, :N], agg1[1, :N], h1p, p0, p1,
                  b1.reshape(1, D), W2[:D], W2[D:])
    agg2 = _sc_agg128(h2p, src_p, dst_p, zeros128)

    wo_pad = jnp.pad(Wo, ((0, 0), (0, D - 1)))
    bo_pad = jnp.pad(bo, (0, D - 1)).reshape(1, D)
    apad = _tc_post(agg2[0, :N], agg2[1, :N], h2p, p0, p1,
                    b2.reshape(1, D), wo_pad, bo_pad)
    return apad[:, :1]

# --- scband reference (transcript-rebuilt; emitter-appended) ---
"""Pipeline reference for scband-gnn-50130858279805 (READ-ONLY COPY).

The authoritative reference and input builder live on the scoring server;
editing this copy changes nothing except your own understanding.
"""

import jax, jax.numpy as jnp
import numpy as np

N_NODES = 10000
N_EDGES = 320000
DIMS = 128


def setup_inputs(seed: int = 0) -> dict:
    key = jax.random.key(seed)
    ks = jax.random.split(key, 8)
    x = jax.random.normal(ks[0], (N_NODES, DIMS), dtype=jnp.float32)
    edge_index = jax.random.randint(ks[1], (2, N_EDGES), 0, N_NODES, dtype=jnp.int64)
    # GCNConv gnn1: in=dims, out=dims (Glorot-style init)
    W1 = jax.random.normal(ks[2], (DIMS, DIMS), dtype=jnp.float32) * (1.0 / np.sqrt(DIMS))
    b1 = jnp.zeros((DIMS,), dtype=jnp.float32)
    # GCNConv gnn2: in=2*dims, out=dims
    W2 = jax.random.normal(ks[3], (2 * DIMS, DIMS), dtype=jnp.float32) * (1.0 / np.sqrt(2 * DIMS))
    b2 = jnp.zeros((DIMS,), dtype=jnp.float32)
    # output Linear: in=dims, out=1
    Wo = jax.random.normal(ks[4], (DIMS, 1), dtype=jnp.float32) * (1.0 / np.sqrt(DIMS))
    bo = jnp.zeros((1,), dtype=jnp.float32)
    return {"x": x, "edge_index": edge_index, "W1": W1, "b1": b1, "W2": W2, "b2": b2, "Wo": Wo, "bo": bo}


def _gcn_conv(x, edge_index, W, b):
    # Faithful PyG GCNConv: add self-loops, symmetric D^{-1/2}(A+I)D^{-1/2} normalization,
    # linear transform, scatter-add aggregation, bias.
    N = x.shape[0]
    loop = jnp.arange(N, dtype=edge_index.dtype)
    src = jnp.concatenate([edge_index[0], loop])
    dst = jnp.concatenate([edge_index[1], loop])
    ones = jnp.ones(src.shape[0], dtype=x.dtype)
    deg = jax.ops.segment_sum(ones, dst, num_segments=N)
    deg_inv_sqrt = jnp.where(deg > 0, deg ** -0.5, 0.0)
    norm = deg_inv_sqrt[src] * deg_inv_sqrt[dst]
    h = x @ W
    msgs = h[src] * norm[:, None]
    out = jax.ops.segment_sum(msgs, dst, num_segments=N)
    return out + b


def _leaky_relu(x, negative_slope=0.01):
    return jnp.where(x >= 0, x, negative_slope * x)


def reference(x, edge_index, W1, b1, W2, b2, Wo, bo):
    y = _gcn_conv(x, edge_index, W1, b1)
    y = jnp.concatenate([x, y], axis=-1)
    y = _leaky_relu(y)
    z = _gcn_conv(y, edge_index, W2, b2)
    z = _leaky_relu(z)
    a = z @ Wo + bo
    return a

if __name__ == "__main__":
    import jax
    _d = setup_inputs()
    print(jax.jit(kernel)(*tuple(_d.values())))

</pallas_src>

<mosaic_0001>
#map = affine_map<(d0, d1) -> (0)>
#map1 = affine_map<(d0, d1) -> (0, 0, 0)>
module attributes {stable_mosaic.version = 14 : i64} {
  func.func @_sc_deg_body(%arg0: i32, %arg1: i32, %arg2: memref<327680xi32, #tpu.memory_space<hbm>>, %arg3: memref<2x1x10112xf32, #tpu.memory_space<hbm>>, %arg4: memref<128xi32, #tpu.memory_space<vmem>>, %arg5: memref<10112xf32, #tpu.memory_space<vmem>>, %arg6: memref<632xf32, #tpu.memory_space<vmem>>, %arg7: memref<632xf32, #tpu.memory_space<vmem>>, %arg8: memref<16x1x10112xf32, #tpu.memory_space<vmem_shared>>) attributes {dimension_semantics = [#tpu.dimension_semantics<core_parallel>, #tpu.dimension_semantics<subcore_parallel>], iteration_bounds = array<i64: 2, 16>, scalar_prefetch = 0 : i64, scratch_operands = 5 : i64, tpu.core_type = #tpu.core_type<sc_vector_subcore>, window_params = [{transform_indices = #map}, {transform_indices = #map1}]} {
    %mul3A = arith.constant 16 : i32
    %mul3A_0 = arith.muli %arg0, %mul3A : i32
    %add3A = arith.addi %mul3A_0, %arg1 : i32
    %scan3A = arith.constant 0 : i32
    %scan3A_1 = arith.constant 632 : i32
    %scan3A_2 = arith.addi %scan3A, %scan3A_1 : i32
    %scan3A_3 = arith.constant 1 : i32
    scf.for %scan3A_20 = %scan3A to %scan3A_2 step %scan3A_3  : i32 {
      %mul3A_21 = arith.constant 16 : i32
      %mul3A_22 = arith.muli %scan3A_20, %mul3A_21 : i32
      %add3A_23 = arith.constant 0 : i32
      %add3A_24 = arith.addi %add3A_23, %mul3A_22 : i32
      %broadcast_in_dim3A = arith.constant 0.000000e+00 : f32
      %broadcast_in_dim3A_25 = vector.broadcast %broadcast_in_dim3A : f32 to vector<16xf32>
      %swap3A = arith.index_cast %add3A_24 : i32 to index
      %swap3A_26 = tpu.vector_load %arg5[%swap3A] {strides = array<i32>} : memref<10112xf32, #tpu.memory_space<vmem>>, vector<16xf32>,
      tpu.vector_store %arg5[%swap3A], %broadcast_in_dim3A_25 {strides = array<i32>} : memref<10112xf32, #tpu.memory_space<vmem>>, vector<16xf32>,
    }
    %scan3A_4 = arith.constant 632 : i32
    %scan3A_5 = arith.constant 0 : i32
    %scan3A_6 = arith.constant 80 : i32
    %scan3A_7 = arith.addi %scan3A_5, %scan3A_6 : i32
    %scan3A_8 = arith.constant 1 : i32
    scf.for %scan3A_20 = %scan3A_5 to %scan3A_7 step %scan3A_8  : i32 {
      %mul3A_21 = arith.constant 1 : i32
      %mul3A_22 = arith.muli %scan3A_20, %mul3A_21 : i32
      %add3A_23 = arith.constant 0 : i32
      %add3A_24 = arith.addi %add3A_23, %mul3A_22 : i32
      %mul3A_25 = arith.constant 80 : i32
      %mul3A_26 = arith.muli %add3A, %mul3A_25 : i32
      %add3A_27 = arith.addi %mul3A_26, %add3A_24 : i32
      %mul3A_28 = arith.constant 128 : i32
      %mul3A_29 = arith.muli %add3A_27, %mul3A_28 : i32
      "tpu.region"() ({
        %run_scoped3A_35 = tpu.sem_alloc : memref<!tpu.dma_semaphore, #tpu.memory_space<semaphore_mem>>
        %dma_start3A = tpu.memref_slice %arg2[%mul3A_29] : memref<327680xi32, #tpu.memory_space<hbm>> -> memref<128xi32, #tpu.memory_space<hbm>>
        %dma_start3A_36 = tpu.memref_slice %arg2[%mul3A_29] : memref<327680xi32, #tpu.memory_space<hbm>> -> memref<128xi32, #tpu.memory_space<hbm>>
        tpu.enqueue_dma source(%dma_start3A_36 : memref<128xi32, #tpu.memory_space<hbm>>) target(%arg4 : memref<128xi32, #tpu.memory_space<vmem>>) target_semaphore(%run_scoped3A_35 : memref<!tpu.dma_semaphore, #tpu.memory_space<semaphore_mem>>)
        %dma_wait3A = tpu.memref_slice %arg2[%mul3A_29] : memref<327680xi32, #tpu.memory_space<hbm>> -> memref<128xi32, #tpu.memory_space<hbm>>
        %dma_wait3A_37 = tpu.memref_slice %arg2[%mul3A_29] : memref<327680xi32, #tpu.memory_space<hbm>> -> memref<128xi32, #tpu.memory_space<hbm>>
        tpu.wait_dma2 semaphore(%run_scoped3A_35 : memref<!tpu.dma_semaphore, #tpu.memory_space<semaphore_mem>>) src(%dma_wait3A_37 : memref<128xi32, #tpu.memory_space<hbm>>) dst(%arg4 : memref<128xi32, #tpu.memory_space<vmem>>)
        tpu.yield
      }) : () -> ()
      %scan3A_30 = arith.constant 0 : i32
      %scan3A_31 = arith.constant 8 : i32
      %scan3A_32 = arith.addi %scan3A_30, %scan3A_31 : i32
      %scan3A_33 = arith.constant 1 : i32
      scf.for %scan3A_35 = %scan3A_30 to %scan3A_32 step %scan3A_33  : i32 {
        %mul3A_36 = arith.constant 16 : i32
        %mul3A_37 = arith.muli %scan3A_35, %mul3A_36 : i32
        %add3A_38 = arith.constant 0 : i32
        %add3A_39 = arith.addi %add3A_38, %mul3A_37 : i32
        %get3A = arith.index_cast %add3A_39 : i32 to index
        %get3A_40 = tpu.vector_load %arg4[%get3A] {strides = array<i32>} : memref<128xi32, #tpu.memory_space<vmem>>, vector<16xi32>,
        %broadcast_in_dim3A = arith.constant 1.000000e+00 : f32
        %broadcast_in_dim3A_41 = vector.broadcast %broadcast_in_dim3A : f32 to vector<16xf32>
        tpu.vector_store_idx %arg5[%get3A_40], %broadcast_in_dim3A_41 {add = true} : memref<10112xf32, #tpu.memory_space<vmem>>[vector<16xi32>], vector<16xf32>,
      }
      %scan3A_34 = arith.constant 8 : i32
    }
    %scan3A_9 = arith.constant 80 : i32
    %run_scoped3A = arith.constant 0 : i32
    "tpu.region"() ({
      %run_scoped3A_20 = tpu.sem_alloc : memref<!tpu.dma_semaphore, #tpu.memory_space<semaphore_mem>>
      %dma_start3A = arith.constant 0 : i32
      %dma_start3A_21 = arith.constant 0 : i32
      %dma_start3A_22 = tpu.memref_slice %arg8[%arg1, %dma_start3A, %dma_start3A_21] : memref<16x1x10112xf32, #tpu.memory_space<vmem_shared>> -> memref<1x1x10112xf32, #tpu.memory_space<vmem_shared>>
      %dma_start3A_23 = tpu.memref_squeeze %dma_start3A_22 : memref<1x1x10112xf32, #tpu.memory_space<vmem_shared>> -> memref<1x10112xf32, #tpu.memory_space<vmem_shared>>
      %dma_start3A_24 = arith.constant 0 : i32
      %dma_start3A_25 = tpu.memref_slice %dma_start3A_23[%run_scoped3A, %dma_start3A_24] : memref<1x10112xf32, #tpu.memory_space<vmem_shared>> -> memref<1x10112xf32, #tpu.memory_space<vmem_shared>>
      %dma_start3A_26 = tpu.memref_squeeze %dma_start3A_25 : memref<1x10112xf32, #tpu.memory_space<vmem_shared>> -> memref<10112xf32, #tpu.memory_space<vmem_shared>>
      %dma_start3A_27 = arith.constant 0 : i32
      %dma_start3A_28 = arith.constant 0 : i32
      %dma_start3A_29 = tpu.memref_slice %arg8[%arg1, %dma_start3A_27, %dma_start3A_28] : memref<16x1x10112xf32, #tpu.memory_space<vmem_shared>> -> memref<1x1x10112xf32, #tpu.memory_space<vmem_shared>>
      %dma_start3A_30 = tpu.memref_squeeze %dma_start3A_29 : memref<1x1x10112xf32, #tpu.memory_space<vmem_shared>> -> memref<1x10112xf32, #tpu.memory_space<vmem_shared>>
      %dma_start3A_31 = arith.constant 0 : i32
      %dma_start3A_32 = tpu.memref_slice %dma_start3A_30[%run_scoped3A, %dma_start3A_31] : memref<1x10112xf32, #tpu.memory_space<vmem_shared>> -> memref<1x10112xf32, #tpu.memory_space<vmem_shared>>
      %dma_start3A_33 = tpu.memref_squeeze %dma_start3A_32 : memref<1x10112xf32, #tpu.memory_space<vmem_shared>> -> memref<10112xf32, #tpu.memory_space<vmem_shared>>
      tpu.enqueue_dma source(%arg5 : memref<10112xf32, #tpu.memory_space<vmem>>) target(%dma_start3A_33 : memref<10112xf32, #tpu.memory_space<vmem_shared>>) target_semaphore(%run_scoped3A_20 : memref<!tpu.dma_semaphore, #tpu.memory_space<semaphore_mem>>)
      %dma_wait3A = arith.constant 0 : i32
      %dma_wait3A_34 = arith.constant 0 : i32
      %dma_wait3A_35 = tpu.memref_slice %arg8[%arg1, %dma_wait3A, %dma_wait3A_34] : memref<16x1x10112xf32, #tpu.memory_space<vmem_shared>> -> memref<1x1x10112xf32, #tpu.memory_space<vmem_shared>>
      %dma_wait3A_36 = tpu.memref_squeeze %dma_wait3A_35 : memref<1x1x10112xf32, #tpu.memory_space<vmem_shared>> -> memref<1x10112xf32, #tpu.memory_space<vmem_shared>>
      %dma_wait3A_37 = arith.constant 0 : i32
      %dma_wait3A_38 = tpu.memref_slice %dma_wait3A_36[%run_scoped3A, %dma_wait3A_37] : memref<1x10112xf32, #tpu.memory_space<vmem_shared>> -> memref<1x10112xf32, #tpu.memory_space<vmem_shared>>
      %dma_wait3A_39 = tpu.memref_squeeze %dma_wait3A_38 : memref<1x10112xf32, #tpu.memory_space<vmem_shared>> -> memref<10112xf32, #tpu.memory_space<vmem_shared>>
      %dma_wait3A_40 = arith.constant 0 : i32
      %dma_wait3A_41 = arith.constant 0 : i32
      %dma_wait3A_42 = tpu.memref_slice %arg8[%arg1, %dma_wait3A_40, %dma_wait3A_41] : memref<16x1x10112xf32, #tpu.memory_space<vmem_shared>> -> memref<1x1x10112xf32, #tpu.memory_space<vmem_shared>>
      %dma_wait3A_43 = tpu.memref_squeeze %dma_wait3A_42 : memref<1x1x10112xf32, #tpu.memory_space<vmem_shared>> -> memref<1x10112xf32, #tpu.memory_space<vmem_shared>>
      %dma_wait3A_44 = arith.constant 0 : i32
      %dma_wait3A_45 = tpu.memref_slice %dma_wait3A_43[%run_scoped3A, %dma_wait3A_44] : memref<1x10112xf32, #tpu.memory_space<vmem_shared>> -> memref<1x10112xf32, #tpu.memory_space<vmem_shared>>
      %dma_wait3A_46 = tpu.memref_squeeze %dma_wait3A_45 : memref<1x10112xf32, #tpu.memory_space<vmem_shared>> -> memref<10112xf32, #tpu.memory_space<vmem_shared>>
      tpu.wait_dma2 semaphore(%run_scoped3A_20 : memref<!tpu.dma_semaphore, #tpu.memory_space<semaphore_mem>>) src(%arg5 : memref<10112xf32, #tpu.memory_space<vmem>>) dst(%dma_wait3A_46 : memref<10112xf32, #tpu.memory_space<vmem_shared>>)
      tpu.yield
    }) : () -> ()
    %barrier3A = arith.constant 0 : index
    tpu.barrier barrier_id(%barrier3A)
    %mul3A_10 = arith.constant 632 : i32
    %mul3A_11 = arith.muli %arg1, %mul3A_10 : i32
    %run_scoped3A_12 = arith.constant 0 : i32
    %run_scoped3A_13 = arith.constant 0 : i32
    "tpu.region"() ({
      %run_scoped3A_20 = tpu.sem_alloc : memref<!tpu.dma_semaphore, #tpu.memory_space<semaphore_mem>>
      %dma_start3A = arith.constant 0 : i32
      %dma_start3A_21 = arith.constant 0 : i32
      %dma_start3A_22 = tpu.memref_slice %arg8[%run_scoped3A_12, %dma_start3A, %dma_start3A_21] : memref<16x1x10112xf32, #tpu.memory_space<vmem_shared>> -> memref<1x1x10112xf32, #tpu.memory_space<vmem_shared>>
      %dma_start3A_23 = tpu.memref_squeeze %dma_start3A_22 : memref<1x1x10112xf32, #tpu.memory_space<vmem_shared>> -> memref<1x10112xf32, #tpu.memory_space<vmem_shared>>
      %dma_start3A_24 = arith.constant 0 : i32
      %dma_start3A_25 = tpu.memref_slice %dma_start3A_23[%run_scoped3A_13, %dma_start3A_24] : memref<1x10112xf32, #tpu.memory_space<vmem_shared>> -> memref<1x10112xf32, #tpu.memory_space<vmem_shared>>
      %dma_start3A_26 = tpu.memref_squeeze %dma_start3A_25 : memref<1x10112xf32, #tpu.memory_space<vmem_shared>> -> memref<10112xf32, #tpu.memory_space<vmem_shared>>
      %dma_start3A_27 = tpu.memref_slice %dma_start3A_26[%mul3A_11] : memref<10112xf32, #tpu.memory_space<vmem_shared>> -> memref<632xf32, #tpu.memory_space<vmem_shared>>
      %dma_start3A_28 = arith.constant 0 : i32
      %dma_start3A_29 = arith.constant 0 : i32
      %dma_start3A_30 = tpu.memref_slice %arg8[%run_scoped3A_12, %dma_start3A_28, %dma_start3A_29] : memref<16x1x10112xf32, #tpu.memory_space<vmem_shared>> -> memref<1x1x10112xf32, #tpu.memory_space<vmem_shared>>
      %dma_start3A_31 = tpu.memref_squeeze %dma_start3A_30 : memref<1x1x10112xf32, #tpu.memory_space<vmem_shared>> -> memref<1x10112xf32, #tpu.memory_space<vmem_shared>>
      %dma_start3A_32 = arith.constant 0 : i32
      %dma_start3A_33 = tpu.memref_slice %dma_start3A_31[%run_scoped3A_13, %dma_start3A_32] : memref<1x10112xf32, #tpu.memory_space<vmem_shared>> -> memref<1x10112xf32, #tpu.memory_space<vmem_shared>>
      %dma_start3A_34 = tpu.memref_squeeze %dma_start3A_33 : memref<1x10112xf32, #tpu.memory_space<vmem_shared>> -> memref<10112xf32, #tpu.memory_space<vmem_shared>>
      %dma_start3A_35 = tpu.memref_slice %dma_start3A_34[%mul3A_11] : memref<10112xf32, #tpu.memory_space<vmem_shared>> -> memref<632xf32, #tpu.memory_space<vmem_shared>>
      tpu.enqueue_dma source(%dma_start3A_35 : memref<632xf32, #tpu.memory_space<vmem_shared>>) target(%arg7 : memref<632xf32, #tpu.memory_space<vmem>>) target_semaphore(%run_scoped3A_20 : memref<!tpu.dma_semaphore, #tpu.memory_space<semaphore_mem>>)
      %dma_wait3A = arith.constant 0 : i32
      %dma_wait3A_36 = arith.constant 0 : i32
      %dma_wait3A_37 = tpu.memref_slice %arg8[%run_scoped3A_12, %dma_wait3A, %dma_wait3A_36] : memref<16x1x10112xf32, #tpu.memory_space<vmem_shared>> -> memref<1x1x10112xf32, #tpu.memory_space<vmem_shared>>
      %dma_wait3A_38 = tpu.memref_squeeze %dma_wait3A_37 : memref<1x1x10112xf32, #tpu.memory_space<vmem_shared>> -> memref<1x10112xf32, #tpu.memory_space<vmem_shared>>
      %dma_wait3A_39 = arith.constant 0 : i32
      %dma_wait3A_40 = tpu.memref_slice %dma_wait3A_38[%run_scoped3A_13, %dma_wait3A_39] : memref<1x10112xf32, #tpu.memory_space<vmem_shared>> -> memref<1x10112xf32, #tpu.memory_space<vmem_shared>>
      %dma_wait3A_41 = tpu.memref_squeeze %dma_wait3A_40 : memref<1x10112xf32, #tpu.memory_space<vmem_shared>> -> memref<10112xf32, #tpu.memory_space<vmem_shared>>
      %dma_wait3A_42 = tpu.memref_slice %dma_wait3A_41[%mul3A_11] : memref<10112xf32, #tpu.memory_space<vmem_shared>> -> memref<632xf32, #tpu.memory_space<vmem_shared>>
      %dma_wait3A_43 = arith.constant 0 : i32
      %dma_wait3A_44 = arith.constant 0 : i32
      %dma_wait3A_45 = tpu.memref_slice %arg8[%run_scoped3A_12, %dma_wait3A_43, %dma_wait3A_44] : memref<16x1x10112xf32, #tpu.memory_space<vmem_shared>> -> memref<1x1x10112xf32, #tpu.memory_space<vmem_shared>>
      %dma_wait3A_46 = tpu.memref_squeeze %dma_wait3A_45 : memref<1x1x10112xf32, #tpu.memory_space<vmem_shared>> -> memref<1x10112xf32, #tpu.memory_space<vmem_shared>>
      %dma_wait3A_47 = arith.constant 0 : i32
      %dma_wait3A_48 = tpu.memref_slice %dma_wait3A_46[%run_scoped3A_13, %dma_wait3A_47] : memref<1x10112xf32, #tpu.memory_space<vmem_shared>> -> memref<1x10112xf32, #tpu.memory_space<vmem_shared>>
      %dma_wait3A_49 = tpu.memref_squeeze %dma_wait3A_48 : memref<1x10112xf32, #tpu.memory_space<vmem_shared>> -> memref<10112xf32, #tpu.memory_space<vmem_shared>>
      %dma_wait3A_50 = tpu.memref_slice %dma_wait3A_49[%mul3A_11] : memref<10112xf32, #tpu.memory_space<vmem_shared>> -> memref<632xf32, #tpu.memory_space<vmem_shared>>
      tpu.wait_dma2 semaphore(%run_scoped3A_20 : memref<!tpu.dma_semaphore, #tpu.memory_space<semaphore_mem>>) src(%dma_wait3A_50 : memref<632xf32, #tpu.memory_space<vmem_shared>>) dst(%arg7 : memref<632xf32, #tpu.memory_space<vmem>>)
      tpu.yield
    }) : () -> ()
    %scan3A_14 = arith.constant 0 : i32
    %scan3A_15 = arith.constant 15 : i32
    %scan3A_16 = arith.addi %scan3A_14, %scan3A_15 : i32
    %scan3A_17 = arith.constant 1 : i32
    scf.for %scan3A_20 = %scan3A_14 to %scan3A_16 step %scan3A_17  : i32 {
      %mul3A_21 = arith.constant 1 : i32
      %mul3A_22 = arith.muli %scan3A_20, %mul3A_21 : i32
      %add3A_23 = arith.constant 1 : i32
      %add3A_24 = arith.addi %add3A_23, %mul3A_22 : i32
      %run_scoped3A_25 = arith.constant 0 : i32
      "tpu.region"() ({
        %run_scoped3A_31 = tpu.sem_alloc : memref<!tpu.dma_semaphore, #tpu.memory_space<semaphore_mem>>
        %dma_start3A = arith.constant 0 : i32
        %dma_start3A_32 = arith.constant 0 : i32
        %dma_start3A_33 = tpu.memref_slice %arg8[%add3A_24, %dma_start3A, %dma_start3A_32] : memref<16x1x10112xf32, #tpu.memory_space<vmem_shared>> -> memref<1x1x10112xf32, #tpu.memory_space<vmem_shared>>
        %dma_start3A_34 = tpu.memref_squeeze %dma_start3A_33 : memref<1x1x10112xf32, #tpu.memory_space<vmem_shared>> -> memref<1x10112xf32, #tpu.memory_space<vmem_shared>>
        %dma_start3A_35 = arith.constant 0 : i32
        %dma_start3A_36 = tpu.memref_slice %dma_start3A_34[%run_scoped3A_25, %dma_start3A_35] : memref<1x10112xf32, #tpu.memory_space<vmem_shared>> -> memref<1x10112xf32, #tpu.memory_space<vmem_shared>>
        %dma_start3A_37 = tpu.memref_squeeze %dma_start3A_36 : memref<1x10112xf32, #tpu.memory_space<vmem_shared>> -> memref<10112xf32, #tpu.memory_space<vmem_shared>>
        %dma_start3A_38 = tpu.memref_slice %dma_start3A_37[%mul3A_11] : memref<10112xf32, #tpu.memory_space<vmem_shared>> -> memref<632xf32, #tpu.memory_space<vmem_shared>>
        %dma_start3A_39 = arith.constant 0 : i32
        %dma_start3A_40 = arith.constant 0 : i32
        %dma_start3A_41 = tpu.memref_slice %arg8[%add3A_24, %dma_start3A_39, %dma_start3A_40] : memref<16x1x10112xf32, #tpu.memory_space<vmem_shared>> -> memref<1x1x10112xf32, #tpu.memory_space<vmem_shared>>
        %dma_start3A_42 = tpu.memref_squeeze %dma_start3A_41 : memref<1x1x10112xf32, #tpu.memory_space<vmem_shared>> -> memref<1x10112xf32, #tpu.memory_space<vmem_shared>>
        %dma_start3A_43 = arith.constant 0 : i32
        %dma_start3A_44 = tpu.memref_slice %dma_start3A_42[%run_scoped3A_25, %dma_start3A_43] : memref<1x10112xf32, #tpu.memory_space<vmem_shared>> -> memref<1x10112xf32, #tpu.memory_space<vmem_shared>>
        %dma_start3A_45 = tpu.memref_squeeze %dma_start3A_44 : memref<1x10112xf32, #tpu.memory_space<vmem_shared>> -> memref<10112xf32, #tpu.memory_space<vmem_shared>>
        %dma_start3A_46 = tpu.memref_slice %dma_start3A_45[%mul3A_11] : memref<10112xf32, #tpu.memory_space<vmem_shared>> -> memref<632xf32, #tpu.memory_space<vmem_shared>>
        tpu.enqueue_dma source(%dma_start3A_46 : memref<632xf32, #tpu.memory_space<vmem_shared>>) target(%arg6 : memref<632xf32, #tpu.memory_space<vmem>>) target_semaphore(%run_scoped3A_31 : memref<!tpu.dma_semaphore, #tpu.memory_space<semaphore_mem>>)
        %dma_wait3A = arith.constant 0 : i32
        %dma_wait3A_47 = arith.constant 0 : i32
        %dma_wait3A_48 = tpu.memref_slice %arg8[%add3A_24, %dma_wait3A, %dma_wait3A_47] : memref<16x1x10112xf32, #tpu.memory_space<vmem_shared>> -> memref<1x1x10112xf32, #tpu.memory_space<vmem_shared>>
        %dma_wait3A_49 = tpu.memref_squeeze %dma_wait3A_48 : memref<1x1x10112xf32, #tpu.memory_space<vmem_shared>> -> memref<1x10112xf32, #tpu.memory_space<vmem_shared>>
        %dma_wait3A_50 = arith.constant 0 : i32
        %dma_wait3A_51 = tpu.memref_slice %dma_wait3A_49[%run_scoped3A_25, %dma_wait3A_50] : memref<1x10112xf32, #tpu.memory_space<vmem_shared>> -> memref<1x10112xf32, #tpu.memory_space<vmem_shared>>
        %dma_wait3A_52 = tpu.memref_squeeze %dma_wait3A_51 : memref<1x10112xf32, #tpu.memory_space<vmem_shared>> -> memref<10112xf32, #tpu.memory_space<vmem_shared>>
        %dma_wait3A_53 = tpu.memref_slice %dma_wait3A_52[%mul3A_11] : memref<10112xf32, #tpu.memory_space<vmem_shared>> -> memref<632xf32, #tpu.memory_space<vmem_shared>>
        %dma_wait3A_54 = arith.constant 0 : i32
        %dma_wait3A_55 = arith.constant 0 : i32
        %dma_wait3A_56 = tpu.memref_slice %arg8[%add3A_24, %dma_wait3A_54, %dma_wait3A_55] : memref<16x1x10112xf32, #tpu.memory_space<vmem_shared>> -> memref<1x1x10112xf32, #tpu.memory_space<vmem_shared>>
        %dma_wait3A_57 = tpu.memref_squeeze %dma_wait3A_56 : memref<1x1x10112xf32, #tpu.memory_space<vmem_shared>> -> memref<1x10112xf32, #tpu.memory_space<vmem_shared>>
        %dma_wait3A_58 = arith.constant 0 : i32
        %dma_wait3A_59 = tpu.memref_slice %dma_wait3A_57[%run_scoped3A_25, %dma_wait3A_58] : memref<1x10112xf32, #tpu.memory_space<vmem_shared>> -> memref<1x10112xf32, #tpu.memory_space<vmem_shared>>
        %dma_wait3A_60 = tpu.memref_squeeze %dma_wait3A_59 : memref<1x10112xf32, #tpu.memory_space<vmem_shared>> -> memref<10112xf32, #tpu.memory_space<vmem_shared>>
        %dma_wait3A_61 = tpu.memref_slice %dma_wait3A_60[%mul3A_11] : memref<10112xf32, #tpu.memory_space<vmem_shared>> -> memref<632xf32, #tpu.memory_space<vmem_shared>>
        tpu.wait_dma2 semaphore(%run_scoped3A_31 : memref<!tpu.dma_semaphore, #tpu.memory_space<semaphore_mem>>) src(%dma_wait3A_61 : memref<632xf32, #tpu.memory_space<vmem_shared>>) dst(%arg6 : memref<632xf32, #tpu.memory_space<vmem>>)
        tpu.yield
      }) : () -> ()
      %scan3A_26 = arith.constant 0 : i32
      %scan3A_27 = arith.constant 40 : i32
      %scan3A_28 = arith.addi %scan3A_26, %scan3A_27 : i32
      %scan3A_29 = arith.constant 1 : i32
      scf.for %scan3A_31 = %scan3A_26 to %scan3A_28 step %scan3A_29  : i32 {
        %mul3A_32 = arith.constant 16 : i32
        %mul3A_33 = arith.muli %scan3A_31, %mul3A_32 : i32
        %add3A_34 = arith.constant 0 : i32
        %add3A_35 = arith.addi %add3A_34, %mul3A_33 : i32
        %get3A = arith.index_cast %add3A_35 : i32 to index
        %get3A_36 = tpu.vector_load %arg7[%get3A] {strides = array<i32>} : memref<632xf32, #tpu.memory_space<vmem>>, vector<16xf32>,
        %get3A_37 = arith.index_cast %add3A_35 : i32 to index
        %get3A_38 = tpu.vector_load %arg6[%get3A_37] {strides = array<i32>} : memref<632xf32, #tpu.memory_space<vmem>>, vector<16xf32>,
        %add3A_39 = arith.addf %get3A_36, %get3A_38 : vector<16xf32>
        %swap3A = arith.index_cast %add3A_35 : i32 to index
        %swap3A_40 = tpu.vector_load %arg7[%swap3A] {strides = array<i32>} : memref<632xf32, #tpu.memory_space<vmem>>, vector<16xf32>,
        tpu.vector_store %arg7[%swap3A], %add3A_39 {strides = array<i32>} : memref<632xf32, #tpu.memory_space<vmem>>, vector<16xf32>,
      }
      %scan3A_30 = arith.constant 40 : i32
    }
    %scan3A_18 = arith.constant 15 : i32
    %run_scoped3A_19 = arith.constant 0 : i32
    "tpu.region"() ({
      %run_scoped3A_20 = tpu.sem_alloc : memref<!tpu.dma_semaphore, #tpu.memory_space<semaphore_mem>>
      %dma_start3A = arith.constant 0 : i32
      %dma_start3A_21 = arith.constant 0 : i32
      %dma_start3A_22 = tpu.memref_slice %arg3[%arg0, %dma_start3A, %dma_start3A_21] : memref<2x1x10112xf32, #tpu.memory_space<hbm>> -> memref<1x1x10112xf32, #tpu.memory_space<hbm>>
      %dma_start3A_23 = tpu.memref_squeeze %dma_start3A_22 : memref<1x1x10112xf32, #tpu.memory_space<hbm>> -> memref<1x10112xf32, #tpu.memory_space<hbm>>
      %dma_start3A_24 = arith.constant 0 : i32
      %dma_start3A_25 = tpu.memref_slice %dma_start3A_23[%run_scoped3A_19, %dma_start3A_24] : memref<1x10112xf32, #tpu.memory_space<hbm>> -> memref<1x10112xf32, #tpu.memory_space<hbm>>
      %dma_start3A_26 = tpu.memref_squeeze %dma_start3A_25 : memref<1x10112xf32, #tpu.memory_space<hbm>> -> memref<10112xf32, #tpu.memory_space<hbm>>
      %dma_start3A_27 = tpu.memref_slice %dma_start3A_26[%mul3A_11] : memref<10112xf32, #tpu.memory_space<hbm>> -> memref<632xf32, #tpu.memory_space<hbm>>
      %dma_start3A_28 = arith.constant 0 : i32
      %dma_start3A_29 = arith.constant 0 : i32
      %dma_start3A_30 = tpu.memref_slice %arg3[%arg0, %dma_start3A_28, %dma_start3A_29] : memref<2x1x10112xf32, #tpu.memory_space<hbm>> -> memref<1x1x10112xf32, #tpu.memory_space<hbm>>
      %dma_start3A_31 = tpu.memref_squeeze %dma_start3A_30 : memref<1x1x10112xf32, #tpu.memory_space<hbm>> -> memref<1x10112xf32, #tpu.memory_space<hbm>>
      %dma_start3A_32 = arith.constant 0 : i32
      %dma_start3A_33 = tpu.memref_slice %dma_start3A_31[%run_scoped3A_19, %dma_start3A_32] : memref<1x10112xf32, #tpu.memory_space<hbm>> -> memref<1x10112xf32, #tpu.memory_space<hbm>>
      %dma_start3A_34 = tpu.memref_squeeze %dma_start3A_33 : memref<1x10112xf32, #tpu.memory_space<hbm>> -> memref<10112xf32, #tpu.memory_space<hbm>>
      %dma_start3A_35 = tpu.memref_slice %dma_start3A_34[%mul3A_11] : memref<10112xf32, #tpu.memory_space<hbm>> -> memref<632xf32, #tpu.memory_space<hbm>>
      tpu.enqueue_dma source(%arg7 : memref<632xf32, #tpu.memory_space<vmem>>) target(%dma_start3A_35 : memref<632xf32, #tpu.memory_space<hbm>>) target_semaphore(%run_scoped3A_20 : memref<!tpu.dma_semaphore, #tpu.memory_space<semaphore_mem>>)
      %dma_wait3A = arith.constant 0 : i32
      %dma_wait3A_36 = arith.constant 0 : i32
      %dma_wait3A_37 = tpu.memref_slice %arg3[%arg0, %dma_wait3A, %dma_wait3A_36] : memref<2x1x10112xf32, #tpu.memory_space<hbm>> -> memref<1x1x10112xf32, #tpu.memory_space<hbm>>
      %dma_wait3A_38 = tpu.memref_squeeze %dma_wait3A_37 : memref<1x1x10112xf32, #tpu.memory_space<hbm>> -> memref<1x10112xf32, #tpu.memory_space<hbm>>
      %dma_wait3A_39 = arith.constant 0 : i32
      %dma_wait3A_40 = tpu.memref_slice %dma_wait3A_38[%run_scoped3A_19, %dma_wait3A_39] : memref<1x10112xf32, #tpu.memory_space<hbm>> -> memref<1x10112xf32, #tpu.memory_space<hbm>>
      %dma_wait3A_41 = tpu.memref_squeeze %dma_wait3A_40 : memref<1x10112xf32, #tpu.memory_space<hbm>> -> memref<10112xf32, #tpu.memory_space<hbm>>
      %dma_wait3A_42 = tpu.memref_slice %dma_wait3A_41[%mul3A_11] : memref<10112xf32, #tpu.memory_space<hbm>> -> memref<632xf32, #tpu.memory_space<hbm>>
      %dma_wait3A_43 = arith.constant 0 : i32
      %dma_wait3A_44 = arith.constant 0 : i32
      %dma_wait3A_45 = tpu.memref_slice %arg3[%arg0, %dma_wait3A_43, %dma_wait3A_44] : memref<2x1x10112xf32, #tpu.memory_space<hbm>> -> memref<1x1x10112xf32, #tpu.memory_space<hbm>>
      %dma_wait3A_46 = tpu.memref_squeeze %dma_wait3A_45 : memref<1x1x10112xf32, #tpu.memory_space<hbm>> -> memref<1x10112xf32, #tpu.memory_space<hbm>>
      %dma_wait3A_47 = arith.constant 0 : i32
      %dma_wait3A_48 = tpu.memref_slice %dma_wait3A_46[%run_scoped3A_19, %dma_wait3A_47] : memref<1x10112xf32, #tpu.memory_space<hbm>> -> memref<1x10112xf32, #tpu.memory_space<hbm>>
      %dma_wait3A_49 = tpu.memref_squeeze %dma_wait3A_48 : memref<1x10112xf32, #tpu.memory_space<hbm>> -> memref<10112xf32, #tpu.memory_space<hbm>>
      %dma_wait3A_50 = tpu.memref_slice %dma_wait3A_49[%mul3A_11] : memref<10112xf32, #tpu.memory_space<hbm>> -> memref<632xf32, #tpu.memory_space<hbm>>
      tpu.wait_dma2 semaphore(%run_scoped3A_20 : memref<!tpu.dma_semaphore, #tpu.memory_space<semaphore_mem>>) src(%arg7 : memref<632xf32, #tpu.memory_space<vmem>>) dst(%dma_wait3A_50 : memref<632xf32, #tpu.memory_space<hbm>>)
      tpu.yield
    }) : () -> ()
    return
  }
}

#map = affine_map<(d0, d1) -> (0, 0)>
#map1 = affine_map<(d0, d1) -> (0)>
#map2 = affine_map<(d0, d1) -> (0, 0, 0)>
module attributes {stable_mosaic.version = 14 : i64} {
  func.func @_sc_agg_body(%arg0: i32, %arg1: i32, %arg2: memref<10000x128xf32, #tpu.memory_space<hbm>>, %arg3: memref<327680xi32, #tpu.memory_space<hbm>>, %arg4: memref<327680xi32, #tpu.memory_space<hbm>>, %arg5: memref<10112x128xf32, #tpu.memory_space<hbm>>, %arg6: memref<2x10112x128xf32, #tpu.memory_space<hbm>>, %arg7: memref<128xi32, #tpu.memory_space<vmem>>, %arg8: memref<128xi32, #tpu.memory_space<vmem>>, %arg9: memref<128x128xf32, #tpu.memory_space<vmem>>, %arg10: memref<10112x128xf32, #tpu.memory_space<vmem_shared>>, %arg11: memref<!tpu.dma_semaphore, #tpu.memory_space<semaphore_mem>>) attributes {dimension_semantics = [#tpu.dimension_semantics<core_parallel>, #tpu.dimension_semantics<subcore_parallel>], iteration_bounds = array<i64: 2, 16>, scalar_prefetch = 0 : i64, scratch_operands = 5 : i64, tpu.core_type = #tpu.core_type<sc_vector_subcore>, window_params = [{transform_indices = #map}, {transform_indices = #map1}, {transform_indices = #map1}, {transform_indices = #map}, {transform_indices = #map2}]} {
    %mul3A = arith.constant 16 : i32
    %mul3A_0 = arith.muli %arg0, %mul3A : i32
    %add3A = arith.addi %mul3A_0, %arg1 : i32
    %mul3A_1 = arith.constant 632 : i32
    %mul3A_2 = arith.muli %arg1, %mul3A_1 : i32
    "tpu.region"() ({
      %run_scoped3A = tpu.sem_alloc : memref<!tpu.dma_semaphore, #tpu.memory_space<semaphore_mem>>
      %dma_start3A = arith.constant 0 : i32
      %dma_start3A_8 = tpu.memref_slice %arg10[%mul3A_2, %dma_start3A] : memref<10112x128xf32, #tpu.memory_space<vmem_shared>> -> memref<632x128xf32, #tpu.memory_space<vmem_shared>>
      %dma_start3A_9 = arith.constant 0 : i32
      %dma_start3A_10 = tpu.memref_slice %arg5[%mul3A_2, %dma_start3A_9] : memref<10112x128xf32, #tpu.memory_space<hbm>> -> memref<632x128xf32, #tpu.memory_space<hbm>>
      tpu.enqueue_dma source(%dma_start3A_10 : memref<632x128xf32, #tpu.memory_space<hbm>>) target(%dma_start3A_8 : memref<632x128xf32, #tpu.memory_space<vmem_shared>>) target_semaphore(%run_scoped3A : memref<!tpu.dma_semaphore, #tpu.memory_space<semaphore_mem>>)
      %dma_wait3A = arith.constant 0 : i32
      %dma_wait3A_11 = tpu.memref_slice %arg10[%mul3A_2, %dma_wait3A] : memref<10112x128xf32, #tpu.memory_space<vmem_shared>> -> memref<632x128xf32, #tpu.memory_space<vmem_shared>>
      %dma_wait3A_12 = arith.constant 0 : i32
      %dma_wait3A_13 = tpu.memref_slice %arg5[%mul3A_2, %dma_wait3A_12] : memref<10112x128xf32, #tpu.memory_space<hbm>> -> memref<632x128xf32, #tpu.memory_space<hbm>>
      tpu.wait_dma2 semaphore(%run_scoped3A : memref<!tpu.dma_semaphore, #tpu.memory_space<semaphore_mem>>) src(%dma_wait3A_13 : memref<632x128xf32, #tpu.memory_space<hbm>>) dst(%dma_wait3A_11 : memref<632x128xf32, #tpu.memory_space<vmem_shared>>)
      tpu.yield
    }) : () -> ()
    %barrier3A = arith.constant 0 : index
    tpu.barrier barrier_id(%barrier3A)
    %scan3A = arith.constant 0 : i32
    %scan3A_3 = arith.constant 80 : i32
    %scan3A_4 = arith.addi %scan3A, %scan3A_3 : i32
    %scan3A_5 = arith.constant 1 : i32
    scf.for %scan3A_8 = %scan3A to %scan3A_4 step %scan3A_5  : i32 {
      %mul3A_9 = arith.constant 1 : i32
      %mul3A_10 = arith.muli %scan3A_8, %mul3A_9 : i32
      %add3A_11 = arith.constant 0 : i32
      %add3A_12 = arith.addi %add3A_11, %mul3A_10 : i32
      %mul3A_13 = arith.constant 80 : i32
      %mul3A_14 = arith.muli %add3A, %mul3A_13 : i32
      %add3A_15 = arith.addi %mul3A_14, %add3A_12 : i32
      %mul3A_16 = arith.constant 128 : i32
      %mul3A_17 = arith.muli %add3A_15, %mul3A_16 : i32
      "tpu.region"() ({
        %run_scoped3A = tpu.sem_alloc : memref<!tpu.dma_semaphore, #tpu.memory_space<semaphore_mem>>
        %dma_start3A_22 = tpu.memref_slice %arg3[%mul3A_17] : memref<327680xi32, #tpu.memory_space<hbm>> -> memref<128xi32, #tpu.memory_space<hbm>>
        %dma_start3A_23 = tpu.memref_slice %arg3[%mul3A_17] : memref<327680xi32, #tpu.memory_space<hbm>> -> memref<128xi32, #tpu.memory_space<hbm>>
        tpu.enqueue_dma source(%dma_start3A_23 : memref<128xi32, #tpu.memory_space<hbm>>) target(%arg7 : memref<128xi32, #tpu.memory_space<vmem>>) target_semaphore(%run_scoped3A : memref<!tpu.dma_semaphore, #tpu.memory_space<semaphore_mem>>)
        %dma_wait3A_24 = tpu.memref_slice %arg3[%mul3A_17] : memref<327680xi32, #tpu.memory_space<hbm>> -> memref<128xi32, #tpu.memory_space<hbm>>
        %dma_wait3A_25 = tpu.memref_slice %arg3[%mul3A_17] : memref<327680xi32, #tpu.memory_space<hbm>> -> memref<128xi32, #tpu.memory_space<hbm>>
        tpu.wait_dma2 semaphore(%run_scoped3A : memref<!tpu.dma_semaphore, #tpu.memory_space<semaphore_mem>>) src(%dma_wait3A_25 : memref<128xi32, #tpu.memory_space<hbm>>) dst(%arg7 : memref<128xi32, #tpu.memory_space<vmem>>)
        tpu.yield
      }) : () -> ()
      "tpu.region"() ({
        %run_scoped3A = tpu.sem_alloc : memref<!tpu.dma_semaphore, #tpu.memory_space<semaphore_mem>>
        %dma_start3A_22 = tpu.memref_slice %arg4[%mul3A_17] : memref<327680xi32, #tpu.memory_space<hbm>> -> memref<128xi32, #tpu.memory_space<hbm>>
        %dma_start3A_23 = tpu.memref_slice %arg4[%mul3A_17] : memref<327680xi32, #tpu.memory_space<hbm>> -> memref<128xi32, #tpu.memory_space<hbm>>
        tpu.enqueue_dma source(%dma_start3A_23 : memref<128xi32, #tpu.memory_space<hbm>>) target(%arg8 : memref<128xi32, #tpu.memory_space<vmem>>) target_semaphore(%run_scoped3A : memref<!tpu.dma_semaphore, #tpu.memory_space<semaphore_mem>>)
        %dma_wait3A_24 = tpu.memref_slice %arg4[%mul3A_17] : memref<327680xi32, #tpu.memory_space<hbm>> -> memref<128xi32, #tpu.memory_space<hbm>>
        %dma_wait3A_25 = tpu.memref_slice %arg4[%mul3A_17] : memref<327680xi32, #tpu.memory_space<hbm>> -> memref<128xi32, #tpu.memory_space<hbm>>
        tpu.wait_dma2 semaphore(%run_scoped3A : memref<!tpu.dma_semaphore, #tpu.memory_space<semaphore_mem>>) src(%dma_wait3A_25 : memref<128xi32, #tpu.memory_space<hbm>>) dst(%arg8 : memref<128xi32, #tpu.memory_space<vmem>>)
        tpu.yield
      }) : () -> ()
      %dma_start3A = arith.constant 0 : i32
      %dma_start3A_18 = arith.constant 0 : i32
      %dma_start3A_19 = tpu.memref_slice %arg2[%dma_start3A, %dma_start3A_18] : memref<10000x128xf32, #tpu.memory_space<hbm>> -> memref<10000x128xf32, #tpu.memory_space<hbm>>
      tpu.enqueue_indirect_dma source(%dma_start3A_19 : memref<10000x128xf32, #tpu.memory_space<hbm>>) target(%arg9 : memref<128x128xf32, #tpu.memory_space<vmem>>) offsets(%arg7 : memref<128xi32, #tpu.memory_space<vmem>>) semaphore(%arg11 : memref<!tpu.dma_semaphore, #tpu.memory_space<semaphore_mem>>)
      %dma_wait3A = arith.constant 0 : i32
      %dma_wait3A_20 = arith.constant 0 : i32
      %dma_wait3A_21 = tpu.memref_slice %arg2[%dma_wait3A, %dma_wait3A_20] : memref<10000x128xf32, #tpu.memory_space<hbm>> -> memref<10000x128xf32, #tpu.memory_space<hbm>>
      tpu.wait_indirect_dma semaphore(%arg11 : memref<!tpu.dma_semaphore, #tpu.memory_space<semaphore_mem>>) src(%dma_wait3A_21 : memref<10000x128xf32, #tpu.memory_space<hbm>>) dst(%arg9 : memref<128x128xf32, #tpu.memory_space<vmem>>)
      "tpu.region"() ({
        %run_scoped3A = tpu.sem_alloc : memref<!tpu.dma_semaphore, #tpu.memory_space<semaphore_mem>>
        %dma_start3A_22 = arith.constant 0 : i32
        %dma_start3A_23 = arith.constant 0 : i32
        %dma_start3A_24 = tpu.memref_slice %arg10[%dma_start3A_22, %dma_start3A_23] : memref<10112x128xf32, #tpu.memory_space<vmem_shared>> -> memref<10112x128xf32, #tpu.memory_space<vmem_shared>>
        tpu.enqueue_indirect_dma source(%arg9 : memref<128x128xf32, #tpu.memory_space<vmem>>) target(%dma_start3A_24 : memref<10112x128xf32, #tpu.memory_space<vmem_shared>>) offsets(%arg8 : memref<128xi32, #tpu.memory_space<vmem>>) semaphore(%run_scoped3A : memref<!tpu.dma_semaphore, #tpu.memory_space<semaphore_mem>>) {add = true}
        %dma_wait3A_25 = arith.constant 0 : i32
        %dma_wait3A_26 = arith.constant 0 : i32
        %dma_wait3A_27 = tpu.memref_slice %arg10[%dma_wait3A_25, %dma_wait3A_26] : memref<10112x128xf32, #tpu.memory_space<vmem_shared>> -> memref<10112x128xf32, #tpu.memory_space<vmem_shared>>
        tpu.wait_indirect_dma semaphore(%run_scoped3A : memref<!tpu.dma_semaphore, #tpu.memory_space<semaphore_mem>>) src(%arg9 : memref<128x128xf32, #tpu.memory_space<vmem>>) dst(%dma_wait3A_27 : memref<10112x128xf32, #tpu.memory_space<vmem_shared>>)
        tpu.yield
      }) : () -> ()
    }
    %scan3A_6 = arith.constant 80 : i32
    %barrier3A_7 = arith.constant 0 : index
    tpu.barrier barrier_id(%barrier3A_7)
    "tpu.region"() ({
      %run_scoped3A = tpu.sem_alloc : memref<!tpu.dma_semaphore, #tpu.memory_space<semaphore_mem>>
      %dma_start3A = arith.constant 0 : i32
      %dma_start3A_8 = arith.constant 0 : i32
      %dma_start3A_9 = tpu.memref_slice %arg6[%arg0, %dma_start3A, %dma_start3A_8] : memref<2x10112x128xf32, #tpu.memory_space<hbm>> -> memref<1x10112x128xf32, #tpu.memory_space<hbm>>
      %dma_start3A_10 = tpu.memref_squeeze %dma_start3A_9 : memref<1x10112x128xf32, #tpu.memory_space<hbm>> -> memref<10112x128xf32, #tpu.memory_space<hbm>>
      %dma_start3A_11 = arith.constant 0 : i32
      %dma_start3A_12 = tpu.memref_slice %dma_start3A_10[%mul3A_2, %dma_start3A_11] : memref<10112x128xf32, #tpu.memory_space<hbm>> -> memref<632x128xf32, #tpu.memory_space<hbm>>
      %dma_start3A_13 = arith.constant 0 : i32
      %dma_start3A_14 = tpu.memref_slice %arg10[%mul3A_2, %dma_start3A_13] : memref<10112x128xf32, #tpu.memory_space<vmem_shared>> -> memref<632x128xf32, #tpu.memory_space<vmem_shared>>
      tpu.enqueue_dma source(%dma_start3A_14 : memref<632x128xf32, #tpu.memory_space<vmem_shared>>) target(%dma_start3A_12 : memref<632x128xf32, #tpu.memory_space<hbm>>) target_semaphore(%run_scoped3A : memref<!tpu.dma_semaphore, #tpu.memory_space<semaphore_mem>>)
      %dma_wait3A = arith.constant 0 : i32
      %dma_wait3A_15 = arith.constant 0 : i32
      %dma_wait3A_16 = tpu.memref_slice %arg6[%arg0, %dma_wait3A, %dma_wait3A_15] : memref<2x10112x128xf32, #tpu.memory_space<hbm>> -> memref<1x10112x128xf32, #tpu.memory_space<hbm>>
      %dma_wait3A_17 = tpu.memref_squeeze %dma_wait3A_16 : memref<1x10112x128xf32, #tpu.memory_space<hbm>> -> memref<10112x128xf32, #tpu.memory_space<hbm>>
      %dma_wait3A_18 = arith.constant 0 : i32
      %dma_wait3A_19 = tpu.memref_slice %dma_wait3A_17[%mul3A_2, %dma_wait3A_18] : memref<10112x128xf32, #tpu.memory_space<hbm>> -> memref<632x128xf32, #tpu.memory_space<hbm>>
      %dma_wait3A_20 = arith.constant 0 : i32
      %dma_wait3A_21 = tpu.memref_slice %arg10[%mul3A_2, %dma_wait3A_20] : memref<10112x128xf32, #tpu.memory_space<vmem_shared>> -> memref<632x128xf32, #tpu.memory_space<vmem_shared>>
      tpu.wait_dma2 semaphore(%run_scoped3A : memref<!tpu.dma_semaphore, #tpu.memory_space<semaphore_mem>>) src(%dma_wait3A_21 : memref<632x128xf32, #tpu.memory_space<vmem_shared>>) dst(%dma_wait3A_19 : memref<632x128xf32, #tpu.memory_space<hbm>>)
      tpu.yield
    }) : () -> ()
    return
  }
}

#map = affine_map<(d0, d1) -> (0, 0)>
#map1 = affine_map<(d0, d1) -> (0)>
#map2 = affine_map<(d0, d1) -> (0, 0, 0)>
module attributes {stable_mosaic.version = 14 : i64} {
  func.func @_sc_agg_body(%arg0: i32, %arg1: i32, %arg2: memref<10000x128xf32, #tpu.memory_space<hbm>>, %arg3: memref<327680xi32, #tpu.memory_space<hbm>>, %arg4: memref<327680xi32, #tpu.memory_space<hbm>>, %arg5: memref<10112x128xf32, #tpu.memory_space<hbm>>, %arg6: memref<2x10112x128xf32, #tpu.memory_space<hbm>>, %arg7: memref<128xi32, #tpu.memory_space<vmem>>, %arg8: memref<128xi32, #tpu.memory_space<vmem>>, %arg9: memref<128x128xf32, #tpu.memory_space<vmem>>, %arg10: memref<10112x128xf32, #tpu.memory_space<vmem_shared>>, %arg11: memref<!tpu.dma_semaphore, #tpu.memory_space<semaphore_mem>>) attributes {dimension_semantics = [#tpu.dimension_semantics<core_parallel>, #tpu.dimension_semantics<subcore_parallel>], iteration_bounds = array<i64: 2, 16>, scalar_prefetch = 0 : i64, scratch_operands = 5 : i64, tpu.core_type = #tpu.core_type<sc_vector_subcore>, window_params = [{transform_indices = #map}, {transform_indices = #map1}, {transform_indices = #map1}, {transform_indices = #map}, {transform_indices = #map2}]} {
    %mul3A = arith.constant 16 : i32
    %mul3A_0 = arith.muli %arg0, %mul3A : i32
    %add3A = arith.addi %mul3A_0, %arg1 : i32
    %mul3A_1 = arith.constant 632 : i32
    %mul3A_2 = arith.muli %arg1, %mul3A_1 : i32
    "tpu.region"() ({
      %run_scoped3A = tpu.sem_alloc : memref<!tpu.dma_semaphore, #tpu.memory_space<semaphore_mem>>
      %dma_start3A = arith.constant 0 : i32
      %dma_start3A_8 = tpu.memref_slice %arg10[%mul3A_2, %dma_start3A] : memref<10112x128xf32, #tpu.memory_space<vmem_shared>> -> memref<632x128xf32, #tpu.memory_space<vmem_shared>>
      %dma_start3A_9 = arith.constant 0 : i32
      %dma_start3A_10 = tpu.memref_slice %arg5[%mul3A_2, %dma_start3A_9] : memref<10112x128xf32, #tpu.memory_space<hbm>> -> memref<632x128xf32, #tpu.memory_space<hbm>>
      tpu.enqueue_dma source(%dma_start3A_10 : memref<632x128xf32, #tpu.memory_space<hbm>>) target(%dma_start3A_8 : memref<632x128xf32, #tpu.memory_space<vmem_shared>>) target_semaphore(%run_scoped3A : memref<!tpu.dma_semaphore, #tpu.memory_space<semaphore_mem>>)
      %dma_wait3A = arith.constant 0 : i32
      %dma_wait3A_11 = tpu.memref_slice %arg10[%mul3A_2, %dma_wait3A] : memref<10112x128xf32, #tpu.memory_space<vmem_shared>> -> memref<632x128xf32, #tpu.memory_space<vmem_shared>>
      %dma_wait3A_12 = arith.constant 0 : i32
      %dma_wait3A_13 = tpu.memref_slice %arg5[%mul3A_2, %dma_wait3A_12] : memref<10112x128xf32, #tpu.memory_space<hbm>> -> memref<632x128xf32, #tpu.memory_space<hbm>>
      tpu.wait_dma2 semaphore(%run_scoped3A : memref<!tpu.dma_semaphore, #tpu.memory_space<semaphore_mem>>) src(%dma_wait3A_13 : memref<632x128xf32, #tpu.memory_space<hbm>>) dst(%dma_wait3A_11 : memref<632x128xf32, #tpu.memory_space<vmem_shared>>)
      tpu.yield
    }) : () -> ()
    %barrier3A = arith.constant 0 : index
    tpu.barrier barrier_id(%barrier3A)
    %scan3A = arith.constant 0 : i32
    %scan3A_3 = arith.constant 80 : i32
    %scan3A_4 = arith.addi %scan3A, %scan3A_3 : i32
    %scan3A_5 = arith.constant 1 : i32
    scf.for %scan3A_8 = %scan3A to %scan3A_4 step %scan3A_5  : i32 {
      %mul3A_9 = arith.constant 1 : i32
      %mul3A_10 = arith.muli %scan3A_8, %mul3A_9 : i32
      %add3A_11 = arith.constant 0 : i32
      %add3A_12 = arith.addi %add3A_11, %mul3A_10 : i32
      %mul3A_13 = arith.constant 80 : i32
      %mul3A_14 = arith.muli %add3A, %mul3A_13 : i32
      %add3A_15 = arith.addi %mul3A_14, %add3A_12 : i32
      %mul3A_16 = arith.constant 128 : i32
      %mul3A_17 = arith.muli %add3A_15, %mul3A_16 : i32
      "tpu.region"() ({
        %run_scoped3A = tpu.sem_alloc : memref<!tpu.dma_semaphore, #tpu.memory_space<semaphore_mem>>
        %dma_start3A_22 = tpu.memref_slice %arg3[%mul3A_17] : memref<327680xi32, #tpu.memory_space<hbm>> -> memref<128xi32, #tpu.memory_space<hbm>>
        %dma_start3A_23 = tpu.memref_slice %arg3[%mul3A_17] : memref<327680xi32, #tpu.memory_space<hbm>> -> memref<128xi32, #tpu.memory_space<hbm>>
        tpu.enqueue_dma source(%dma_start3A_23 : memref<128xi32, #tpu.memory_space<hbm>>) target(%arg7 : memref<128xi32, #tpu.memory_space<vmem>>) target_semaphore(%run_scoped3A : memref<!tpu.dma_semaphore, #tpu.memory_space<semaphore_mem>>)
        %dma_wait3A_24 = tpu.memref_slice %arg3[%mul3A_17] : memref<327680xi32, #tpu.memory_space<hbm>> -> memref<128xi32, #tpu.memory_space<hbm>>
        %dma_wait3A_25 = tpu.memref_slice %arg3[%mul3A_17] : memref<327680xi32, #tpu.memory_space<hbm>> -> memref<128xi32, #tpu.memory_space<hbm>>
        tpu.wait_dma2 semaphore(%run_scoped3A : memref<!tpu.dma_semaphore, #tpu.memory_space<semaphore_mem>>) src(%dma_wait3A_25 : memref<128xi32, #tpu.memory_space<hbm>>) dst(%arg7 : memref<128xi32, #tpu.memory_space<vmem>>)
        tpu.yield
      }) : () -> ()
      "tpu.region"() ({
        %run_scoped3A = tpu.sem_alloc : memref<!tpu.dma_semaphore, #tpu.memory_space<semaphore_mem>>
        %dma_start3A_22 = tpu.memref_slice %arg4[%mul3A_17] : memref<327680xi32, #tpu.memory_space<hbm>> -> memref<128xi32, #tpu.memory_space<hbm>>
        %dma_start3A_23 = tpu.memref_slice %arg4[%mul3A_17] : memref<327680xi32, #tpu.memory_space<hbm>> -> memref<128xi32, #tpu.memory_space<hbm>>
        tpu.enqueue_dma source(%dma_start3A_23 : memref<128xi32, #tpu.memory_space<hbm>>) target(%arg8 : memref<128xi32, #tpu.memory_space<vmem>>) target_semaphore(%run_scoped3A : memref<!tpu.dma_semaphore, #tpu.memory_space<semaphore_mem>>)
        %dma_wait3A_24 = tpu.memref_slice %arg4[%mul3A_17] : memref<327680xi32, #tpu.memory_space<hbm>> -> memref<128xi32, #tpu.memory_space<hbm>>
        %dma_wait3A_25 = tpu.memref_slice %arg4[%mul3A_17] : memref<327680xi32, #tpu.memory_space<hbm>> -> memref<128xi32, #tpu.memory_space<hbm>>
        tpu.wait_dma2 semaphore(%run_scoped3A : memref<!tpu.dma_semaphore, #tpu.memory_space<semaphore_mem>>) src(%dma_wait3A_25 : memref<128xi32, #tpu.memory_space<hbm>>) dst(%arg8 : memref<128xi32, #tpu.memory_space<vmem>>)
        tpu.yield
      }) : () -> ()
      %dma_start3A = arith.constant 0 : i32
      %dma_start3A_18 = arith.constant 0 : i32
      %dma_start3A_19 = tpu.memref_slice %arg2[%dma_start3A, %dma_start3A_18] : memref<10000x128xf32, #tpu.memory_space<hbm>> -> memref<10000x128xf32, #tpu.memory_space<hbm>>
      tpu.enqueue_indirect_dma source(%dma_start3A_19 : memref<10000x128xf32, #tpu.memory_space<hbm>>) target(%arg9 : memref<128x128xf32, #tpu.memory_space<vmem>>) offsets(%arg7 : memref<128xi32, #tpu.memory_space<vmem>>) semaphore(%arg11 : memref<!tpu.dma_semaphore, #tpu.memory_space<semaphore_mem>>)
      %dma_wait3A = arith.constant 0 : i32
      %dma_wait3A_20 = arith.constant 0 : i32
      %dma_wait3A_21 = tpu.memref_slice %arg2[%dma_wait3A, %dma_wait3A_20] : memref<10000x128xf32, #tpu.memory_space<hbm>> -> memref<10000x128xf32, #tpu.memory_space<hbm>>
      tpu.wait_indirect_dma semaphore(%arg11 : memref<!tpu.dma_semaphore, #tpu.memory_space<semaphore_mem>>) src(%dma_wait3A_21 : memref<10000x128xf32, #tpu.memory_space<hbm>>) dst(%arg9 : memref<128x128xf32, #tpu.memory_space<vmem>>)
      "tpu.region"() ({
        %run_scoped3A = tpu.sem_alloc : memref<!tpu.dma_semaphore, #tpu.memory_space<semaphore_mem>>
        %dma_start3A_22 = arith.constant 0 : i32
        %dma_start3A_23 = arith.constant 0 : i32
        %dma_start3A_24 = tpu.memref_slice %arg10[%dma_start3A_22, %dma_start3A_23] : memref<10112x128xf32, #tpu.memory_space<vmem_shared>> -> memref<10112x128xf32, #tpu.memory_space<vmem_shared>>
        tpu.enqueue_indirect_dma source(%arg9 : memref<128x128xf32, #tpu.memory_space<vmem>>) target(%dma_start3A_24 : memref<10112x128xf32, #tpu.memory_space<vmem_shared>>) offsets(%arg8 : memref<128xi32, #tpu.memory_space<vmem>>) semaphore(%run_scoped3A : memref<!tpu.dma_semaphore, #tpu.memory_space<semaphore_mem>>) {add = true}
        %dma_wait3A_25 = arith.constant 0 : i32
        %dma_wait3A_26 = arith.constant 0 : i32
        %dma_wait3A_27 = tpu.memref_slice %arg10[%dma_wait3A_25, %dma_wait3A_26] : memref<10112x128xf32, #tpu.memory_space<vmem_shared>> -> memref<10112x128xf32, #tpu.memory_space<vmem_shared>>
        tpu.wait_indirect_dma semaphore(%run_scoped3A : memref<!tpu.dma_semaphore, #tpu.memory_space<semaphore_mem>>) src(%arg9 : memref<128x128xf32, #tpu.memory_space<vmem>>) dst(%dma_wait3A_27 : memref<10112x128xf32, #tpu.memory_space<vmem_shared>>)
        tpu.yield
      }) : () -> ()
    }
    %scan3A_6 = arith.constant 80 : i32
    %barrier3A_7 = arith.constant 0 : index
    tpu.barrier barrier_id(%barrier3A_7)
    "tpu.region"() ({
      %run_scoped3A = tpu.sem_alloc : memref<!tpu.dma_semaphore, #tpu.memory_space<semaphore_mem>>
      %dma_start3A = arith.constant 0 : i32
      %dma_start3A_8 = arith.constant 0 : i32
      %dma_start3A_9 = tpu.memref_slice %arg6[%arg0, %dma_start3A, %dma_start3A_8] : memref<2x10112x128xf32, #tpu.memory_space<hbm>> -> memref<1x10112x128xf32, #tpu.memory_space<hbm>>
      %dma_start3A_10 = tpu.memref_squeeze %dma_start3A_9 : memref<1x10112x128xf32, #tpu.memory_space<hbm>> -> memref<10112x128xf32, #tpu.memory_space<hbm>>
      %dma_start3A_11 = arith.constant 0 : i32
      %dma_start3A_12 = tpu.memref_slice %dma_start3A_10[%mul3A_2, %dma_start3A_11] : memref<10112x128xf32, #tpu.memory_space<hbm>> -> memref<632x128xf32, #tpu.memory_space<hbm>>
      %dma_start3A_13 = arith.constant 0 : i32
      %dma_start3A_14 = tpu.memref_slice %arg10[%mul3A_2, %dma_start3A_13] : memref<10112x128xf32, #tpu.memory_space<vmem_shared>> -> memref<632x128xf32, #tpu.memory_space<vmem_shared>>
      tpu.enqueue_dma source(%dma_start3A_14 : memref<632x128xf32, #tpu.memory_space<vmem_shared>>) target(%dma_start3A_12 : memref<632x128xf32, #tpu.memory_space<hbm>>) target_semaphore(%run_scoped3A : memref<!tpu.dma_semaphore, #tpu.memory_space<semaphore_mem>>)
      %dma_wait3A = arith.constant 0 : i32
      %dma_wait3A_15 = arith.constant 0 : i32
      %dma_wait3A_16 = tpu.memref_slice %arg6[%arg0, %dma_wait3A, %dma_wait3A_15] : memref<2x10112x128xf32, #tpu.memory_space<hbm>> -> memref<1x10112x128xf32, #tpu.memory_space<hbm>>
      %dma_wait3A_17 = tpu.memref_squeeze %dma_wait3A_16 : memref<1x10112x128xf32, #tpu.memory_space<hbm>> -> memref<10112x128xf32, #tpu.memory_space<hbm>>
      %dma_wait3A_18 = arith.constant 0 : i32
      %dma_wait3A_19 = tpu.memref_slice %dma_wait3A_17[%mul3A_2, %dma_wait3A_18] : memref<10112x128xf32, #tpu.memory_space<hbm>> -> memref<632x128xf32, #tpu.memory_space<hbm>>
      %dma_wait3A_20 = arith.constant 0 : i32
      %dma_wait3A_21 = tpu.memref_slice %arg10[%mul3A_2, %dma_wait3A_20] : memref<10112x128xf32, #tpu.memory_space<vmem_shared>> -> memref<632x128xf32, #tpu.memory_space<vmem_shared>>
      tpu.wait_dma2 semaphore(%run_scoped3A : memref<!tpu.dma_semaphore, #tpu.memory_space<semaphore_mem>>) src(%dma_wait3A_21 : memref<632x128xf32, #tpu.memory_space<vmem_shared>>) dst(%dma_wait3A_19 : memref<632x128xf32, #tpu.memory_space<hbm>>)
      tpu.yield
    }) : () -> ()
    return
  }
}

module attributes {stable_mosaic.version = 14 : i64} {
  func.func @_tc_pre_body(%arg0: i32, %arg1: memref<1000x128xf32, #tpu.memory_space<vmem>>, %arg2: memref<128x128xf32, #tpu.memory_space<vmem>>, %arg3: memref<1000x1xf32, #tpu.memory_space<vmem>>, %arg4: memref<1000x1xf32, #tpu.memory_space<vmem>>, %arg5: memref<1000x128xf32, #tpu.memory_space<vmem>>) attributes {dimension_semantics = [#tpu.dimension_semantics<arbitrary>], iteration_bounds = array<i64: 10>, scalar_prefetch = 0 : i64, scratch_operands = 0 : i64, tpu.core_type = #tpu.core_type<tc>, window_params = [{transform_indices = @transform_0, window_bounds = array<i64: 1000, 128>}, {pipeline_mode = #tpu.pipeline_mode<synchronous>, transform_indices = @transform_1, window_bounds = array<i64: 128, 128>}, {transform_indices = @transform_2, window_bounds = array<i64: 1000, 1>}, {transform_indices = @transform_3, window_bounds = array<i64: 1000, 1>}, {transform_indices = @transform_4, window_bounds = array<i64: 1000, 128>}]} {
    %get3A = arith.constant 0 : index
    %get3A_0 = arith.constant 0 : index
    %get3A_1 = vector.load %arg3[%get3A, %get3A_0] : memref<1000x1xf32, #tpu.memory_space<vmem>>, vector<1000x1xf32>
    %get3A_2 = arith.constant 0 : index
    %get3A_3 = arith.constant 0 : index
    %get3A_4 = vector.load %arg4[%get3A_2, %get3A_3] : memref<1000x1xf32, #tpu.memory_space<vmem>>, vector<1000x1xf32>
    %add3A = arith.addf %get3A_1, %get3A_4 : vector<1000x1xf32>
    %add3A_5 = arith.constant 1.000000e+00 : f32
    %add3A_6 = vector.broadcast %add3A_5 : f32 to vector<1000x1xf32>
    %add3A_7 = arith.addf %add3A, %add3A_6 : vector<1000x1xf32>
    %rsqrt3A = math.rsqrt %add3A_7 : vector<1000x1xf32>
    %get3A_8 = arith.constant 0 : index
    %get3A_9 = arith.constant 0 : index
    %get3A_10 = vector.load %arg1[%get3A_8, %get3A_9] : memref<1000x128xf32, #tpu.memory_space<vmem>>, vector<1000x128xf32>
    %get3A_11 = arith.constant 0 : index
    %get3A_12 = arith.constant 0 : index
    %get3A_13 = vector.load %arg2[%get3A_11, %get3A_12] : memref<128x128xf32, #tpu.memory_space<vmem>>, vector<128x128xf32>
    %dot_general3A = arith.constant dense<0.000000e+00> : vector<1000x128xf32>
    %dot_general3A_14 = tpu.matmul %get3A_10, %get3A_13, %dot_general3A {dimension_numbers = #tpu.dot_dimension_numbers<[1], [0], [0], [1], [0, 0, 1, 1], [], []>, transpose_lhs_hint = false} : vector<1000x128xf32>, vector<128x128xf32>, vector<1000x128xf32> -> vector<1000x128xf32>
    %mul3A = vector.broadcast %rsqrt3A : vector<1000x1xf32> to vector<1000x128xf32>
    %mul3A_15 = arith.mulf %mul3A, %dot_general3A_14 : vector<1000x128xf32>
    %swap3A = arith.constant 0 : index
    %swap3A_16 = arith.constant 0 : index
    %swap3A_17 = vector.load %arg5[%swap3A, %swap3A_16] : memref<1000x128xf32, #tpu.memory_space<vmem>>, vector<1000x128xf32>
    tpu.vector_store %arg5[%swap3A, %swap3A_16], %mul3A_15 {strides = array<i32>} : memref<1000x128xf32, #tpu.memory_space<vmem>>, vector<1000x128xf32>,
    return
  }
  func.func @transform_0(%arg0: i32) -> (i32, i32) {
    %c0_i32 = arith.constant 0 : i32
    %c0_i32_0 = arith.constant 0 : i32
    return %arg0, %c0_i32 : i32, i32
  }
  func.func @transform_1(%arg0: i32) -> (i32, i32) {
    %c0_i32 = arith.constant 0 : i32
    %c0_i32_0 = arith.constant 0 : i32
    %c0_i32_1 = arith.constant 0 : i32
    return %c0_i32, %c0_i32_0 : i32, i32
  }
  func.func @transform_2(%arg0: i32) -> (i32, i32) {
    %c0_i32 = arith.constant 0 : i32
    %c0_i32_0 = arith.constant 0 : i32
    return %arg0, %c0_i32 : i32, i32
  }
  func.func @transform_3(%arg0: i32) -> (i32, i32) {
    %c0_i32 = arith.constant 0 : i32
    %c0_i32_0 = arith.constant 0 : i32
    return %arg0, %c0_i32 : i32, i32
  }
  func.func @transform_4(%arg0: i32) -> (i32, i32) {
    %c0_i32 = arith.constant 0 : i32
    %c0_i32_0 = arith.constant 0 : i32
    return %arg0, %c0_i32 : i32, i32
  }
}

module attributes {stable_mosaic.version = 14 : i64} {
  func.func @_tc_mid_body(%arg0: i32, %arg1: memref<1000x128xf32, #tpu.memory_space<vmem>>, %arg2: memref<1000x128xf32, #tpu.memory_space<vmem>>, %arg3: memref<1000x128xf32, #tpu.memory_space<vmem>>, %arg4: memref<1000x128xf32, #tpu.memory_space<vmem>>, %arg5: memref<1000x1xf32, #tpu.memory_space<vmem>>, %arg6: memref<1000x1xf32, #tpu.memory_space<vmem>>, %arg7: memref<1x128xf32, #tpu.memory_space<vmem>>, %arg8: memref<128x128xf32, #tpu.memory_space<vmem>>, %arg9: memref<128x128xf32, #tpu.memory_space<vmem>>, %arg10: memref<1000x128xf32, #tpu.memory_space<vmem>>) attributes {dimension_semantics = [#tpu.dimension_semantics<arbitrary>], iteration_bounds = array<i64: 10>, scalar_prefetch = 0 : i64, scratch_operands = 0 : i64, tpu.core_type = #tpu.core_type<tc>, window_params = [{transform_indices = @transform_0, window_bounds = array<i64: 1000, 128>}, {transform_indices = @transform_1, window_bounds = array<i64: 1000, 128>}, {transform_indices = @transform_2, window_bounds = array<i64: 1000, 128>}, {transform_indices = @transform_3, window_bounds = array<i64: 1000, 128>}, {transform_indices = @transform_4, window_bounds = array<i64: 1000, 1>}, {transform_indices = @transform_5, window_bounds = array<i64: 1000, 1>}, {pipeline_mode = #tpu.pipeline_mode<synchronous>, transform_indices = @transform_6, window_bounds = array<i64: 1, 128>}, {pipeline_mode = #tpu.pipeline_mode<synchronous>, transform_indices = @transform_7, window_bounds = array<i64: 128, 128>}, {pipeline_mode = #tpu.pipeline_mode<synchronous>, transform_indices = @transform_8, window_bounds = array<i64: 128, 128>}, {transform_indices = @transform_9, window_bounds = array<i64: 1000, 128>}]} {
    %get3A = arith.constant 0 : index
    %get3A_0 = arith.constant 0 : index
    %get3A_1 = vector.load %arg5[%get3A, %get3A_0] : memref<1000x1xf32, #tpu.memory_space<vmem>>, vector<1000x1xf32>
    %get3A_2 = arith.constant 0 : index
    %get3A_3 = arith.constant 0 : index
    %get3A_4 = vector.load %arg6[%get3A_2, %get3A_3] : memref<1000x1xf32, #tpu.memory_space<vmem>>, vector<1000x1xf32>
    %add3A = arith.addf %get3A_1, %get3A_4 : vector<1000x1xf32>
    %add3A_5 = arith.constant 1.000000e+00 : f32
    %add3A_6 = vector.broadcast %add3A_5 : f32 to vector<1000x1xf32>
    %add3A_7 = arith.addf %add3A, %add3A_6 : vector<1000x1xf32>
    %rsqrt3A = math.rsqrt %add3A_7 : vector<1000x1xf32>
    %get3A_8 = arith.constant 0 : index
    %get3A_9 = arith.constant 0 : index
    %get3A_10 = vector.load %arg2[%get3A_8, %get3A_9] : memref<1000x128xf32, #tpu.memory_space<vmem>>, vector<1000x128xf32>
    %get3A_11 = arith.constant 0 : index
    %get3A_12 = arith.constant 0 : index
    %get3A_13 = vector.load %arg3[%get3A_11, %get3A_12] : memref<1000x128xf32, #tpu.memory_space<vmem>>, vector<1000x128xf32>
    %add3A_14 = arith.addf %get3A_10, %get3A_13 : vector<1000x128xf32>
    %get3A_15 = arith.constant 0 : index
    %get3A_16 = arith.constant 0 : index
    %get3A_17 = vector.load %arg4[%get3A_15, %get3A_16] : memref<1000x128xf32, #tpu.memory_space<vmem>>, vector<1000x128xf32>
    %add3A_18 = arith.addf %add3A_14, %get3A_17 : vector<1000x128xf32>
    %mul3A = vector.broadcast %rsqrt3A : vector<1000x1xf32> to vector<1000x128xf32>
    %mul3A_19 = arith.mulf %mul3A, %add3A_18 : vector<1000x128xf32>
    %get3A_20 = arith.constant 0 : index
    %get3A_21 = arith.constant 0 : index
    %get3A_22 = vector.load %arg7[%get3A_20, %get3A_21] : memref<1x128xf32, #tpu.memory_space<vmem>>, vector<1x128xf32>
    %add3A_23 = vector.broadcast %get3A_22 : vector<1x128xf32> to vector<1000x128xf32>
    %add3A_24 = arith.addf %mul3A_19, %add3A_23 : vector<1000x128xf32>
    %get3A_25 = arith.constant 0 : index
    %get3A_26 = arith.constant 0 : index
    %get3A_27 = vector.load %arg1[%get3A_25, %get3A_26] : memref<1000x128xf32, #tpu.memory_space<vmem>>, vector<1000x128xf32>
    %ge3A = arith.constant 0.000000e+00 : f32
    %ge3A_28 = vector.broadcast %ge3A : f32 to vector<1000x128xf32>
    %ge3A_29 = arith.cmpf oge, %get3A_27, %ge3A_28 : vector<1000x128xf32>
    %mul3A_30 = arith.constant 0.00999999977 : f32
    %mul3A_31 = vector.broadcast %mul3A_30 : f32 to vector<1000x128xf32>
    %mul3A_32 = arith.mulf %mul3A_31, %get3A_27 : vector<1000x128xf32>
    %select_n3A = arith.select %ge3A_29, %get3A_27, %mul3A_32 : vector<1000x128xi1>, vector<1000x128xf32>
    %get3A_33 = arith.constant 0 : index
    %get3A_34 = arith.constant 0 : index
    %get3A_35 = vector.load %arg8[%get3A_33, %get3A_34] : memref<128x128xf32, #tpu.memory_space<vmem>>, vector<128x128xf32>
    %dot_general3A = arith.constant dense<0.000000e+00> : vector<1000x128xf32>
    %dot_general3A_36 = tpu.matmul %select_n3A, %get3A_35, %dot_general3A {dimension_numbers = #tpu.dot_dimension_numbers<[1], [0], [0], [1], [0, 0, 1, 1], [], []>, transpose_lhs_hint = false} : vector<1000x128xf32>, vector<128x128xf32>, vector<1000x128xf32> -> vector<1000x128xf32>
    %ge3A_37 = arith.constant 0.000000e+00 : f32
    %ge3A_38 = vector.broadcast %ge3A_37 : f32 to vector<1000x128xf32>
    %ge3A_39 = arith.cmpf oge, %add3A_24, %ge3A_38 : vector<1000x128xf32>
    %mul3A_40 = arith.constant 0.00999999977 : f32
    %mul3A_41 = vector.broadcast %mul3A_40 : f32 to vector<1000x128xf32>
    %mul3A_42 = arith.mulf %mul3A_41, %add3A_24 : vector<1000x128xf32>
    %select_n3A_43 = arith.select %ge3A_39, %add3A_24, %mul3A_42 : vector<1000x128xi1>, vector<1000x128xf32>
    %get3A_44 = arith.constant 0 : index
    %get3A_45 = arith.constant 0 : index
    %get3A_46 = vector.load %arg9[%get3A_44, %get3A_45] : memref<128x128xf32, #tpu.memory_space<vmem>>, vector<128x128xf32>
    %dot_general3A_47 = arith.constant dense<0.000000e+00> : vector<1000x128xf32>
    %dot_general3A_48 = tpu.matmul %select_n3A_43, %get3A_46, %dot_general3A_47 {dimension_numbers = #tpu.dot_dimension_numbers<[1], [0], [0], [1], [0, 0, 1, 1], [], []>, transpose_lhs_hint = false} : vector<1000x128xf32>, vector<128x128xf32>, vector<1000x128xf32> -> vector<1000x128xf32>
    %add3A_49 = arith.addf %dot_general3A_36, %dot_general3A_48 : vector<1000x128xf32>
    %mul3A_50 = vector.broadcast %rsqrt3A : vector<1000x1xf32> to vector<1000x128xf32>
    %mul3A_51 = arith.mulf %mul3A_50, %add3A_49 : vector<1000x128xf32>
    %swap3A = arith.constant 0 : index
    %swap3A_52 = arith.constant 0 : index
    %swap3A_53 = vector.load %arg10[%swap3A, %swap3A_52] : memref<1000x128xf32, #tpu.memory_space<vmem>>, vector<1000x128xf32>
    tpu.vector_store %arg10[%swap3A, %swap3A_52], %mul3A_51 {strides = array<i32>} : memref<1000x128xf32, #tpu.memory_space<vmem>>, vector<1000x128xf32>,
    return
  }
  func.func @transform_0(%arg0: i32) -> (i32, i32) {
    %c0_i32 = arith.constant 0 : i32
    %c0_i32_0 = arith.constant 0 : i32
    return %arg0, %c0_i32 : i32, i32
  }
  func.func @transform_1(%arg0: i32) -> (i32, i32) {
    %c0_i32 = arith.constant 0 : i32
    %c0_i32_0 = arith.constant 0 : i32
    return %arg0, %c0_i32 : i32, i32
  }
  func.func @transform_2(%arg0: i32) -> (i32, i32) {
    %c0_i32 = arith.constant 0 : i32
    %c0_i32_0 = arith.constant 0 : i32
    return %arg0, %c0_i32 : i32, i32
  }
  func.func @transform_3(%arg0: i32) -> (i32, i32) {
    %c0_i32 = arith.constant 0 : i32
    %c0_i32_0 = arith.constant 0 : i32
    return %arg0, %c0_i32 : i32, i32
  }
  func.func @transform_4(%arg0: i32) -> (i32, i32) {
    %c0_i32 = arith.constant 0 : i32
    %c0_i32_0 = arith.constant 0 : i32
    return %arg0, %c0_i32 : i32, i32
  }
  func.func @transform_5(%arg0: i32) -> (i32, i32) {
    %c0_i32 = arith.constant 0 : i32
    %c0_i32_0 = arith.constant 0 : i32
    return %arg0, %c0_i32 : i32, i32
  }
  func.func @transform_6(%arg0: i32) -> (i32, i32) {
    %c0_i32 = arith.constant 0 : i32
    %c0_i32_0 = arith.constant 0 : i32
    %c0_i32_1 = arith.constant 0 : i32
    return %c0_i32, %c0_i32_0 : i32, i32
  }
  func.func @transform_7(%arg0: i32) -> (i32, i32) {
    %c0_i32 = arith.constant 0 : i32
    %c0_i32_0 = arith.constant 0 : i32
    %c0_i32_1 = arith.constant 0 : i32
    return %c0_i32, %c0_i32_0 : i32, i32
  }
  func.func @transform_8(%arg0: i32) -> (i32, i32) {
    %c0_i32 = arith.constant 0 : i32
    %c0_i32_0 = arith.constant 0 : i32
    %c0_i32_1 = arith.constant 0 : i32
    return %c0_i32, %c0_i32_0 : i32, i32
  }
  func.func @transform_9(%arg0: i32) -> (i32, i32) {
    %c0_i32 = arith.constant 0 : i32
    %c0_i32_0 = arith.constant 0 : i32
    return %arg0, %c0_i32 : i32, i32
  }
}

module attributes {stable_mosaic.version = 14 : i64} {
  func.func @_tc_post_body(%arg0: i32, %arg1: memref<1000x128xf32, #tpu.memory_space<vmem>>, %arg2: memref<1000x128xf32, #tpu.memory_space<vmem>>, %arg3: memref<1000x128xf32, #tpu.memory_space<vmem>>, %arg4: memref<1000x1xf32, #tpu.memory_space<vmem>>, %arg5: memref<1000x1xf32, #tpu.memory_space<vmem>>, %arg6: memref<1x128xf32, #tpu.memory_space<vmem>>, %arg7: memref<128x128xf32, #tpu.memory_space<vmem>>, %arg8: memref<1x128xf32, #tpu.memory_space<vmem>>, %arg9: memref<1000x128xf32, #tpu.memory_space<vmem>>) attributes {dimension_semantics = [#tpu.dimension_semantics<arbitrary>], iteration_bounds = array<i64: 10>, scalar_prefetch = 0 : i64, scratch_operands = 0 : i64, tpu.core_type = #tpu.core_type<tc>, window_params = [{transform_indices = @transform_0, window_bounds = array<i64: 1000, 128>}, {transform_indices = @transform_1, window_bounds = array<i64: 1000, 128>}, {transform_indices = @transform_2, window_bounds = array<i64: 1000, 128>}, {transform_indices = @transform_3, window_bounds = array<i64: 1000, 1>}, {transform_indices = @transform_4, window_bounds = array<i64: 1000, 1>}, {pipeline_mode = #tpu.pipeline_mode<synchronous>, transform_indices = @transform_5, window_bounds = array<i64: 1, 128>}, {pipeline_mode = #tpu.pipeline_mode<synchronous>, transform_indices = @transform_6, window_bounds = array<i64: 128, 128>}, {pipeline_mode = #tpu.pipeline_mode<synchronous>, transform_indices = @transform_7, window_bounds = array<i64: 1, 128>}, {transform_indices = @transform_8, window_bounds = array<i64: 1000, 128>}]} {
    %get3A = arith.constant 0 : index
    %get3A_0 = arith.constant 0 : index
    %get3A_1 = vector.load %arg4[%get3A, %get3A_0] : memref<1000x1xf32, #tpu.memory_space<vmem>>, vector<1000x1xf32>
    %get3A_2 = arith.constant 0 : index
    %get3A_3 = arith.constant 0 : index
    %get3A_4 = vector.load %arg5[%get3A_2, %get3A_3] : memref<1000x1xf32, #tpu.memory_space<vmem>>, vector<1000x1xf32>
    %add3A = arith.addf %get3A_1, %get3A_4 : vector<1000x1xf32>
    %add3A_5 = arith.constant 1.000000e+00 : f32
    %add3A_6 = vector.broadcast %add3A_5 : f32 to vector<1000x1xf32>
    %add3A_7 = arith.addf %add3A, %add3A_6 : vector<1000x1xf32>
    %rsqrt3A = math.rsqrt %add3A_7 : vector<1000x1xf32>
    %get3A_8 = arith.constant 0 : index
    %get3A_9 = arith.constant 0 : index
    %get3A_10 = vector.load %arg1[%get3A_8, %get3A_9] : memref<1000x128xf32, #tpu.memory_space<vmem>>, vector<1000x128xf32>
    %get3A_11 = arith.constant 0 : index
    %get3A_12 = arith.constant 0 : index
    %get3A_13 = vector.load %arg2[%get3A_11, %get3A_12] : memref<1000x128xf32, #tpu.memory_space<vmem>>, vector<1000x128xf32>
    %add3A_14 = arith.addf %get3A_10, %get3A_13 : vector<1000x128xf32>
    %get3A_15 = arith.constant 0 : index
    %get3A_16 = arith.constant 0 : index
    %get3A_17 = vector.load %arg3[%get3A_15, %get3A_16] : memref<1000x128xf32, #tpu.memory_space<vmem>>, vector<1000x128xf32>
    %add3A_18 = arith.addf %add3A_14, %get3A_17 : vector<1000x128xf32>
    %mul3A = vector.broadcast %rsqrt3A : vector<1000x1xf32> to vector<1000x128xf32>
    %mul3A_19 = arith.mulf %mul3A, %add3A_18 : vector<1000x128xf32>
    %get3A_20 = arith.constant 0 : index
    %get3A_21 = arith.constant 0 : index
    %get3A_22 = vector.load %arg6[%get3A_20, %get3A_21] : memref<1x128xf32, #tpu.memory_space<vmem>>, vector<1x128xf32>
    %add3A_23 = vector.broadcast %get3A_22 : vector<1x128xf32> to vector<1000x128xf32>
    %add3A_24 = arith.addf %mul3A_19, %add3A_23 : vector<1000x128xf32>
    %ge3A = arith.constant 0.000000e+00 : f32
    %ge3A_25 = vector.broadcast %ge3A : f32 to vector<1000x128xf32>
    %ge3A_26 = arith.cmpf oge, %add3A_24, %ge3A_25 : vector<1000x128xf32>
    %mul3A_27 = arith.constant 0.00999999977 : f32
    %mul3A_28 = vector.broadcast %mul3A_27 : f32 to vector<1000x128xf32>
    %mul3A_29 = arith.mulf %mul3A_28, %add3A_24 : vector<1000x128xf32>
    %select_n3A = arith.select %ge3A_26, %add3A_24, %mul3A_29 : vector<1000x128xi1>, vector<1000x128xf32>
    %get3A_30 = arith.constant 0 : index
    %get3A_31 = arith.constant 0 : index
    %get3A_32 = vector.load %arg7[%get3A_30, %get3A_31] : memref<128x128xf32, #tpu.memory_space<vmem>>, vector<128x128xf32>
    %dot_general3A = arith.constant dense<0.000000e+00> : vector<1000x128xf32>
    %dot_general3A_33 = tpu.matmul %select_n3A, %get3A_32, %dot_general3A {dimension_numbers = #tpu.dot_dimension_numbers<[1], [0], [0], [1], [0, 0, 1, 1], [], []>, transpose_lhs_hint = false} : vector<1000x128xf32>, vector<128x128xf32>, vector<1000x128xf32> -> vector<1000x128xf32>
    %get3A_34 = arith.constant 0 : index
    %get3A_35 = arith.constant 0 : index
    %get3A_36 = vector.load %arg8[%get3A_34, %get3A_35] : memref<1x128xf32, #tpu.memory_space<vmem>>, vector<1x128xf32>
    %add3A_37 = vector.broadcast %get3A_36 : vector<1x128xf32> to vector<1000x128xf32>
    %add3A_38 = arith.addf %dot_general3A_33, %add3A_37 : vector<1000x128xf32>
    %swap3A = arith.constant 0 : index
    %swap3A_39 = arith.constant 0 : index
    %swap3A_40 = vector.load %arg9[%swap3A, %swap3A_39] : memref<1000x128xf32, #tpu.memory_space<vmem>>, vector<1000x128xf32>
    tpu.vector_store %arg9[%swap3A, %swap3A_39], %add3A_38 {strides = array<i32>} : memref<1000x128xf32, #tpu.memory_space<vmem>>, vector<1000x128xf32>,
    return
  }
  func.func @transform_0(%arg0: i32) -> (i32, i32) {
    %c0_i32 = arith.constant 0 : i32
    %c0_i32_0 = arith.constant 0 : i32
    return %arg0, %c0_i32 : i32, i32
  }
  func.func @transform_1(%arg0: i32) -> (i32, i32) {
    %c0_i32 = arith.constant 0 : i32
    %c0_i32_0 = arith.constant 0 : i32
    return %arg0, %c0_i32 : i32, i32
  }
  func.func @transform_2(%arg0: i32) -> (i32, i32) {
    %c0_i32 = arith.constant 0 : i32
    %c0_i32_0 = arith.constant 0 : i32
    return %arg0, %c0_i32 : i32, i32
  }
  func.func @transform_3(%arg0: i32) -> (i32, i32) {
    %c0_i32 = arith.constant 0 : i32
    %c0_i32_0 = arith.constant 0 : i32
    return %arg0, %c0_i32 : i32, i32
  }
  func.func @transform_4(%arg0: i32) -> (i32, i32) {
    %c0_i32 = arith.constant 0 : i32
    %c0_i32_0 = arith.constant 0 : i32
    return %arg0, %c0_i32 : i32, i32
  }
  func.func @transform_5(%arg0: i32) -> (i32, i32) {
    %c0_i32 = arith.constant 0 : i32
    %c0_i32_0 = arith.constant 0 : i32
    %c0_i32_1 = arith.constant 0 : i32
    return %c0_i32, %c0_i32_0 : i32, i32
  }
  func.func @transform_6(%arg0: i32) -> (i32, i32) {
    %c0_i32 = arith.constant 0 : i32
    %c0_i32_0 = arith.constant 0 : i32
    %c0_i32_1 = arith.constant 0 : i32
    return %c0_i32, %c0_i32_0 : i32, i32
  }
  func.func @transform_7(%arg0: i32) -> (i32, i32) {
    %c0_i32 = arith.constant 0 : i32
    %c0_i32_0 = arith.constant 0 : i32
    %c0_i32_1 = arith.constant 0 : i32
    return %c0_i32, %c0_i32_0 : i32, i32
  }
  func.func @transform_8(%arg0: i32) -> (i32, i32) {
    %c0_i32 = arith.constant 0 : i32
    %c0_i32_0 = arith.constant 0 : i32
    return %arg0, %c0_i32 : i32, i32
  }
}

</mosaic_0001>

<sc_bundles>
// kernel: kernel.11.cloned.1.call-start
scs
__scs_entry_jumppad:
0x0: {  	(pc) =	sbr.rel $0x88, $3  }
0x1: {  	(tag) =	ssettag $0x0;
	lr =	simm.s32 $0x1  }
0x2: {  	[smem:$0x3F99] =	sst lr;
	_ =	strace $0xD0000000  }
0x3: {  	_ = 	snop  }
0x4: {  	_ = 	snop  }
0x5: {  	_ = 	snop  }
0x6: {  	_ = 	snop  }
0x7: {  	_ = 	snop  }
__scs_overlays_trampoline_lowered:
0x8: {  	[smem:$0x3FA8] =	sst s0  }
0x9: {  	[smem:$0x3FA9] =	sst s1  }
0xa: {  	[smem:$0x3FAA] =	sst s2  }
0xb: {  	[smem:$0x3FAB] =	sst s3  }
0xc: {  	[smem:$0x3FAC] =	sst s4  }
0xd: {  	[smem:$0x3FAD] =	sst s5  }
0xe: {  	[smem:$0x3FAE] =	sst s6  }
0xf: {  	[smem:$0x3FAF] =	sst s7  }
0x10: {  	[smem:$0x3FB0] =	sst s8  }
0x11: {  	[smem:$0x3FB1] =	sst s9;
	s0 =	simm.s32 @!p0 $0x0  }
0x12: {  	s1 =	sld [smem:$0x3F97];
	s0 =	simm.s32 @p0 $0x1  }
0x13: {  	[smem:$0x3FB2] =	sst s0;
	s0 =	simm.s32 @!p1 $0x0  }
0x14: {  	s2 =	sld [smem:$0x3F96];
	s0 =	simm.s32 @p1 $0x1  }
0x15: {  	[smem:$0x3FB3] =	sst s0;
	s0 =	simm.s32 @!p2 $0x0  }
0x16: {  	s3 =	sld [smem:$0x3FDB];
	s0 =	simm.s32 @p2 $0x1  }
0x17: {  	s4 =	simm.s32 $0x1BF5;
	[smem:$0x3FB5] =	sst s0  }
0x18: {  	s0 =	sld [smem:$0x3F98];
	_ =	swait.ge [sflag:s4], $0x0  }
0x19: {  	s7 =	sld [smem:$0x3F99]  }
0x1a: {  	s8 =	sadd.s32 $0xFFFFE003, lr  }
0x1b: {  	s9 =	sadd.s32 $0xFFFFFEF7, lr;
	s5 =	simm.s32 $0xFFFFFFFF;
	p2 =	slt.u32 s8, $0xFFFFF086  }
0x1c: {  	p1 =	slt.u32 s9, $0xF7A;
	s5 =	simm.s32 @!p2 $0x0  }
0x1d: {  	s5 =	simm.s32 @p1 $0x1;
	p0 =	seq.s32 s7, s2  }
0x1e: {  	s7 =	smul.u32 @!p0 $0xF7A, s2;
	p2 =	seq.s32 @!p0 s5, $0x0  }
0x1f: {  	s9 =	smul.u32 $0xF7A, s1;
	s8 =	simm.s32 @!p0 $0x1BF5;
	p2 =	por !p2, p0  }
0x20: {  	[sflag:s8] =	ssyncset.s32 @!p0 $0xFFFFF086;
	s6 =	sadd.s32 @!p0 s3, s7;
	s7 =	simm.s32 @!p0 $0x108  }
0x21: {  	s3 =	sadd.s32 s3, s9;
	s6 =	sadd.s32 @!p0 $0x88, s6;
	s7 =	simm.s32 @p2 $0x1082  }
0x22: {  	[simem:s7], [sflag:s8] =	dma.local @!p0 [hbm:s6], $0xF7A  }
0x23: {  	s9 =	sor.u32 $0xD0000000, s2;
	s6 =	simm.s32 $0x108;
	_ =	swait.ge @!p0 [sflag:s8], $0x0  }
0x24: {  	s3 =	sadd.s32 $0x88, s3;
	s6 =	simm.s32 @!p1 $0x1082;
	[sflag:s4] =	ssyncset.s32 $0xFFFFF086  }
0x25: {  	[simem:s6], [sflag:s4] =	dma.local [hbm:s3], $0xF7A  }
0x26: {  	[smem:$0x3F99] =	sst s1;
	(tag) =	ssettag s2;
	_ =	strace s9  }
0x27: {  	s1 =	sld [smem:$0x3FA9]  }
0x28: {  	s2 =	sld [smem:$0x3FAA]  }
0x29: {  	s4 =	sld [smem:$0x3FAC]  }
0x2a: {  	p0 =	seq.s32 s5, $0x0;
	s5 =	sld [smem:$0x3FAD]  }
0x2b: {  	s6 =	sld [smem:$0x3FAE]  }
0x2c: {  	s7 =	sld [smem:$0x3FAF]  }
0x2d: {  	s3 =	simm.s32 $0x108;
	s8 =	sld [smem:$0x3FB0]  }
0x2e: {  	s3 =	simm.s32 @!p0 $0x1082;
	s9 =	sld [smem:$0x3FB1]  }
0x2f: {  	lr =	sadd.s32 s0, s3;
	s0 =	sld [smem:$0x3FA8]  }
0x30: {  	s3 =	sld [smem:$0x3FAB]  }
0x31: {  	[smem:$0x3FB4] =	sst s10  }
0x32: {  	s10 =	sld [smem:$0x3FB2];
	_ =	sdelay $0x3  }
0x33: {  	p0 =	seq.s32 s10, $0x1;
	s10 =	sld [smem:$0x3FB4];
	_ =	sdelay $0x3  }
0x34: {  	[smem:$0x3FB4] =	sst s10  }
0x35: {  	s10 =	sld [smem:$0x3FB3];
	_ =	sdelay $0x3  }
0x36: {  	p1 =	seq.s32 s10, $0x1;
	s10 =	sld [smem:$0x3FB4];
	_ =	sdelay $0x3  }
0x37: {  	[smem:$0x3FB4] =	sst s10  }
0x38: {  	s10 =	sld [smem:$0x3FB5]  }
0x39: {  	_ = 	snop;
	(pc) =	sbr.ind lr, $3  }
0x3a: {  	_ = 	snop  }
0x3b: {  	_ = 	snop  }
0x3c: {  	p2 =	seq.s32 s10, $0x1;
	s10 =	sld [smem:$0x3FB4]  }
0x3d: {  	_ =	shalt  }
0x3e: {  	_ =	shalt  }
0x3f: {  	_ =	shalt  }
0x40: {  	_ =	shalt  }
0x41: {  	_ =	shalt  }
0x42: {  	_ =	shalt  }
0x43: {  	_ =	shalt  }
0x44: {  	_ =	shalt  }
0x45: {  	_ =	shalt  }
0x46: {  	_ =	shalt  }
0x47: {  	_ =	shalt  }
0x48: {  	_ =	shalt  }
0x49: {  	_ =	shalt  }
0x4a: {  	_ =	shalt  }
0x4b: {  	_ =	shalt  }
0x4c: {  	_ =	shalt  }
0x4d: {  	_ =	shalt  }
0x4e: {  	_ =	shalt  }
0x4f: {  	_ =	shalt  }
0x50: {  	_ =	shalt  }
0x51: {  	_ =	shalt  }
0x52: {  	_ =	shalt  }
0x53: {  	_ =	shalt  }
0x54: {  	_ =	shalt  }
0x55: {  	_ =	shalt  }
0x56: {  	_ =	shalt  }
0x57: {  	_ =	shalt  }
0x58: {  	_ =	shalt  }
0x59: {  	_ =	shalt  }
0x5a: {  	_ =	shalt  }
0x5b: {  	_ =	shalt  }
0x5c: {  	_ =	shalt  }
0x5d: {  	_ =	shalt  }
0x5e: {  	_ =	shalt  }
0x5f: {  	_ =	shalt  }
0x60: {  	_ =	shalt  }
0x61: {  	_ =	shalt  }
0x62: {  	_ =	shalt  }
0x63: {  	_ =	shalt  }
0x64: {  	_ =	shalt  }
0x65: {  	_ =	shalt  }
0x66: {  	_ =	shalt  }
0x67: {  	_ =	shalt  }
0x68: {  	_ =	shalt  }
0x69: {  	_ =	shalt  }
0x6a: {  	_ =	shalt  }
0x6b: {  	_ =	shalt  }
0x6c: {  	_ =	shalt  }
0x6d: {  	_ =	shalt  }
0x6e: {  	_ =	shalt  }
0x6f: {  	_ =	shalt  }
0x70: {  	_ =	shalt  }
0x71: {  	_ =	shalt  }
0x72: {  	_ =	shalt  }
0x73: {  	_ =	shalt  }
0x74: {  	_ =	shalt  }
0x75: {  	_ =	shalt  }
0x76: {  	_ =	shalt  }
0x77: {  	_ =	shalt  }
0x78: {  	_ =	shalt  }
0x79: {  	_ =	shalt  }
0x7a: {  	_ =	shalt  }
0x7b: {  	_ =	shalt  }
0x7c: {  	_ =	shalt  }
0x7d: {  	_ =	shalt  }
0x7e: {  	_ =	shalt  }
0x7f: {  	_ =	shalt  }
0x80: {  	_ =	shalt  }
0x81: {  	_ =	shalt  }
0x82: {  	_ =	shalt  }
0x83: {  	_ =	shalt  }
0x84: {  	_ =	shalt  }
0x85: {  	_ =	shalt  }
0x86: {  	_ =	shalt  }
0x87: {  	_ =	shalt  }
.Lfunc_end0:
.L_simem_size_0:
called_computation.1_lowered:
.L_overlay_start_0:
0x88: {  	s2 =	sld [smem:$0x3FD9]  }
0x89: {  	s3 =	sld [smem:$0x3FFE];
	_ =	sdelay $0x1  }
0x8a: {  	s1 =	srdreg.scid  }
0x8b: {  	s0 =	sand.u32 $0x1, s1  }
0x8c: {  	s16 =	sshll.u32 s0, $0xA;
	s2 =	sadd.s32 s3, s2  }
0x8d: {  	s2 =	sadd.s32 s2, s16  }
0x8e: {  	[smem:$0x3FC0] =	sst s2  }
0x8f: {  	_ = 	snop  }
0x90: {  	(tm) =	ssettm $0x1  }
0x91: {  	s17 =	sld [smem:$0x3FFB];
	_ =	sdelay $0x3  }
0x92: {  	_ =	strace s17  }
0x93: {  	s2 =	sld [smem:$0x3FFC];
	_ =	sdelay $0x3  }
0x94: {  	_ =	strace s2  }
0x95: {  	s2 =	sld [smem:$0x3FFD];
	_ =	sdelay $0x3  }
0x96: {  	_ =	strace s2  }
0x97: {  	_ =	strace $0x8FFFFFFF  }
0x98: {  	s18 =	sld [smem:$0x3FDB];
	_ =	sdelay $0x1  }
0x99: {  	s19 =	simm.s32 $_scs_section_size  }
0x9a: {  	s4 =	simm.s32 $_size__tile_overlayer_lowered;
	s5 =	simm.s32 $_tile_overlayer_lowered  }
0x9b: {  	s22 =	simm.s32 $0x1BFF;
	s21 =	sshll.u32 s5, $0x1;
	s2 =	sadd.s32 s19, s18  }
0x9c: {  	s6 =	simm.s32 $0x0;
	s20 =	sshll.u32 s4, $0x1;
	s4 =	sadd.s32 s21, s2  }
0x9d: {  	[timem:s6], [sflag:s22] =	dma.local [hbm:s4], s20  }
0x9e: {  	_ =	swait.ge [sflag:s22], s20  }
0x9f: {  	s3 =	ssub.s32 $0x0, s20;
	[sflag:s22] =	ssyncset.done $0x0  }
0xa0: {  	[sflag:s22] =	ssyncadd.s32 s3;
	_ =	sdelay $0x1  }
0xa1: {  	s23 =	simm.s32 $0x1B8B  }
0xa2: {  	_ =	swait.ge [sflag:s23], $0x1  }
0xa3: {  	[sflag:s23] =	ssyncset.done $0x0  }
0xa4: {  	s25 =	simm.s32 $0x1B8E;
	s24 =	sld [smem:$0x3FFE];
	[sflag:s23] =	ssyncadd.s32 $0xFFFFFFFF  }
0xa5: {  	s26 =	simm.s32 $execute0_lowered;
	[smem:$0x3FD2] =	sst s25  }
0xa6: {  	s4 =	sshll.u32 s26, $0x1;
	_ =	strace $0x80000049;
	[dreg:$0x1] =	wrdreg $0xFFFFFFFF  }
0xa7: {  	s28 =	simm.s32 $_size_execute0_lowered;
	s2 =	sadd.s32 s2, s4;
	[dreg:$0x0] =	wrdreg $0x0  }
0xa8: {  	s4 =	sshll.u32 s28, $0x1;
	[dreg:$0x2] =	wrdreg s2  }
0xa9: {  	[dreg:$0x3] =	wrdreg s4  }
0xaa: {  	[dreg:$0x4] =	wrdreg $0xC0  }
0xab: {  	_ =	task [dreg:s6], $0x5FFFF  }
0xac: {  	[dreg:$0x1] =	wrdreg $0xFFFFFFFF  }
0xad: {  	[dreg:$0x0] =	wrdreg $0x60  }
0xae: {  	[dreg:$0x2] =	wrdreg s24  }
0xaf: {  	[dreg:$0x3] =	wrdreg $0x41000  }
0xb0: {  	[dreg:$0x4] =	wrdreg $0x9  }
0xb1: {  	_ =	task.clear_ibuf [dreg:s6], $0x5FFFF;
	_ =	strace $0x90000049  }
0xb2: {  	s29 =	simm.s32 $0x9;
	_ =	strace $0x8000004B  }
0xb3: {  	_ =	swait.ge [sflag:s29], $0x1  }
0xb4: {  	[sflag:s29] =	ssyncadd.s32 $0xFFFFFFFF  }
0xb5: {  	_ =	strace $0x9000004B  }
0xb6: {  	_ =	sfence  }
0xb7: {  	s30 =	sld [smem:$0x0];
	_ =	sdelay $0x2  }
0xb8: {  	s31 =	sshll.u32 s1, $0xD;
	s1 =	sshrl.u32 s1, $0x2  }
0xb9: {  	s3 =	sand.u32 $0x4000, s31;
	s1 =	sadd.s32 s1, s30  }
0xba: {  	s0 =	sor.u32 s3, s0;
	s1 =	sshll.u32 s1, $0x11  }
0xbb: {  	s0 =	sor.u32 s1, s0  }
0xbc: {  	s0 =	sadd.s32 $0x8F2B, s0  }
0xbd: {  	[sflag:s0] =	ssyncadd.remote.s32 $0x1  }
0xbe: {  	_ =	sfence.sel $0xFFFF  }
0xbf: {  	[dreg:$0x0] =	wrdreg $0xFFFFFFFF;
	(pc) =	sbr.abs _section_cstart, $3  }
0xc0: {  	[dreg:$0x1] =	wrdreg $0xFFFFFFFF  }
0xc1: {  	_ =	task.clear_ibuf [dreg:s6], $0x2FFFF;
	_ =	strace $0x9FFFFFFF  }
0xc2: {  	(tm) =	ssettm $0x7FFFFFFF  }
0xc3: {  	_ =	shalt  }
tec
execute0_lowered:
.L_overlay_start_1:
0x0: {  	(tag) =	ssettag $0x1  }
0x1: {  	s5 =	rddreg [dreg:$0x0]  }
0x2: {  	s1 =	rddreg [dreg:$0x1];
	s3 =	srdreg.scid  }
0x3: {  	s0 =	rddreg [dreg:$0x2];
	s6 =	sand.u32 $0x1, s3  }
0x4: {  	s2 =	simm.s32 $0x0;
	s3 =	stileid.u32;
	s7 =	smul.u32 $0x5000, s6  }
0x5: {  	s13 =	simm.s32 $0x100;
	s14 =	simm.s32 $0x1;
	s15 =	smul.u32 $0x2780, s3  }
0x6: {  	[smem:$0x7FF] =	sst s2;
	s4 =	sadd.s32 $0x65C00, s5;
	s8 =	smul.u32 $0x27800, s6  }
0x7: {  	_ =	strace $0x8000004A;
	s6 =	ssub.s32 $0x2, s6;
	s10 =	smul.u32 $0x4F000, s3  }
0x8: {  	s30 =	sshll.u32 s3, $0x6;
	s31 =	smul.u32 $0x500, s3;
	s28 =	sshrl.u32 s6, $0x1  }
0x9: {  	s9 =	sadd.s32 s7, s5;
	s11 =	sadd.s32 s15, s5;
	s8 =	sadd.s32 s8, s5  }
0xa: {  	s7 =	ssub.s32 s6, s28;
	s29 =	sshrl.u32 s10, $0x2;
	s6 =	sor.u32 $0x1C02, s30  }
0xb: {  	s12 =	sadd.s32 s29, s1;
	s5 =	sadd.s32 $0x8CE00, s11;
	s16 =	sadd.s32 $0xB4600, s8  }
0xc: {  	s7 =	smax.u32 s7, $0x1;
	s9 =	sadd.s32 s31, s9;
	s11 =	simm.s32 $0x2  }
0xd: {  	s8 =	sadd.s32 $0x2E00, s9;
	s9 =	sadd.s32 $0xD800, s9;
	s10 =	sshrl.u32 s12, $0x3  }
0xe: {  	s12 =	simm.s32 $0x80;
	s15 =	sadd.s32 s15, s16;
	s16 =	simm.s32 $0x0  }
.LBB2_1:
0xf: {  	[spmem:s10], [sflag:s6] =	dma.local [hbm:s5], $0x2780  }
0x10: {  	_ =	swait.ge [sflag:s11], $0x2780  }
0x11: {  	[sflag:s11] =	ssyncset.done $0x0  }
0x12: {  	[sflag:s11] =	ssyncadd.s32 $0xFFFFD880  }
0x13: {  	s17 =	sadd.s32 $0x0, s9;
	[bflag:$0x0] =	sbarrier.arrive $0xFFFF  }
0x14: {  	[tilespmem:s2], [sflag:$0x2] =	stream.linear.gather [hbm4b:s17+s2], $0x80, $0x38;
	[tilespmem:$0x17D00] =	vst v63  }
0x15: {  	_ =	swait.ge [sflag:s11], $0x80  }
0x16: {  	[sflag:s11] =	ssyncset.done $0x0  }
0x17: {  	s31 =	sadd.s32 $0x0, s8;
	[sflag:s11] =	ssyncadd.s32 $0xFFFFFF80  }
0x18: {  	[tilespmem:s12], [sflag:$0x2] =	stream.linear.gather [hbm4b:s31+s2], $0x80, $0x38;
	[tilespmem:$0x17D00] =	vst v63  }
0x19: {  	_ =	swait.ge [sflag:s11], $0x80  }
0x1a: {  	[sflag:s11] =	ssyncset.done $0x0  }
0x1b: {  	[sflag:s11] =	ssyncadd.s32 $0xFFFFFF80  }
0x1c: {  	[tilespmem:s13], [sflag:$0x1] =	stream.indirect.gather [hbm4b:s4+s12], $0x80, s2, s12, $0xb8;
	[tilespmem:$0x17D00] =	vst v63  }
0x1d: {  	_ =	swait.ge [sflag:s14], $0x4000  }
0x1e: {  	[sflag:s14] =	ssyncset.done $0x0  }
0x1f: {  	[sflag:s14] =	ssyncadd.s32 $0xFFFFC000  }
0x20: {  	[spmem:s1] =	stream.indirect.scatter.add.f32 [tilespmem:s13], [sflag:$0x2], $0x80, s12, s12, $0xb8;
	[tilespmem:$0x17D00] =	vst v63  }
0x21: {  	_ =	swait.ge [sflag:s11], $0x4000  }
0x22: {  	s18 =	simm.s32 $0x20;
	s17 =	simm.s32 $0x10;
	[sflag:s11] =	ssyncset.done $0x0  }
.LBB2_2:
0x23: {  	s19 =	sadd.s32 s17, s9  }
0x24: {  	[sflag:s11] =	ssyncadd.s32 $0xFFFFC000;
	s20 =	smov.u32 s18;
	s21 =	sadd.s32 $0x10, s18  }
0x25: {  	[tilespmem:s2], [sflag:$0x2] =	stream.linear.gather [hbm4b:s19+s2], $0x80, $0x38;
	[tilespmem:$0x17D00] =	vst v63  }
0x26: {  	p0 =	sne.s32 s18, $0x4F0;
	_ =	swait.ge [sflag:s11], $0x80  }
0x27: {  	[sflag:s11] =	ssyncset.done $0x0  }
0x28: {  	s18 =	sadd.s32 s17, s8;
	s17 =	smov.u32 s20;
	[sflag:s11] =	ssyncadd.s32 $0xFFFFFF80  }
0x29: {  	[tilespmem:s12], [sflag:$0x2] =	stream.linear.gather [hbm4b:s18+s2], $0x80, $0x38;
	[tilespmem:$0x17D00] =	vst v63  }
0x2a: {  	_ =	swait.ge [sflag:s11], $0x80  }
0x2b: {  	[sflag:s11] =	ssyncset.done $0x0  }
0x2c: {  	[sflag:s11] =	ssyncadd.s32 $0xFFFFFF80  }
0x2d: {  	[tilespmem:s13], [sflag:$0x1] =	stream.indirect.gather [hbm4b:s4+s12], $0x80, s2, s12, $0xb8;
	[tilespmem:$0x17D00] =	vst v63  }
0x2e: {  	_ =	swait.ge [sflag:s14], $0x4000  }
.Ltmp0:
0x2f: {  	[sflag:s14] =	ssyncset.done $0x0;
	(pc) =	sbr.rel @p0 .LBB2_2-.Ltmp0, $4  }
0x30: {  	[sflag:s14] =	ssyncadd.s32 $0xFFFFC000  }
0x31: {  	[spmem:s1] =	stream.indirect.scatter.add.f32 [tilespmem:s13], [sflag:$0x2], $0x80, s12, s12, $0xb8;
	[tilespmem:$0x17D00] =	vst v63  }
0x32: {  	_ =	swait.ge [sflag:s11], $0x4000  }
0x33: {  	s18 =	smov.u32 s21;
	[sflag:s11] =	ssyncset.done $0x0  }
0x34: {  	s18 =	sadd.s32 s17, s9;
	[sflag:s11] =	ssyncadd.s32 $0xFFFFC000  }
0x35: {  	[tilespmem:s2], [sflag:$0x2] =	stream.linear.gather [hbm4b:s18+s2], $0x80, $0x38;
	[tilespmem:$0x17D00] =	vst v63  }
0x36: {  	_ =	swait.ge [sflag:s11], $0x80  }
0x37: {  	[sflag:s11] =	ssyncset.done $0x0  }
0x38: {  	s31 =	sadd.s32 s17, s8;
	[sflag:s11] =	ssyncadd.s32 $0xFFFFFF80  }
0x39: {  	[tilespmem:s12], [sflag:$0x2] =	stream.linear.gather [hbm4b:s31+s2], $0x80, $0x38;
	[tilespmem:$0x17D00] =	vst v63  }
0x3a: {  	_ =	swait.ge [sflag:s11], $0x80  }
0x3b: {  	[sflag:s11] =	ssyncset.done $0x0  }
0x3c: {  	[sflag:s11] =	ssyncadd.s32 $0xFFFFFF80  }
0x3d: {  	[tilespmem:s13], [sflag:$0x1] =	stream.indirect.gather [hbm4b:s4+s12], $0x80, s2, s12, $0xb8;
	[tilespmem:$0x17D00] =	vst v63  }
0x3e: {  	_ =	swait.ge [sflag:s14], $0x4000  }
0x3f: {  	[sflag:s14] =	ssyncset.done $0x0  }
0x40: {  	[sflag:s14] =	ssyncadd.s32 $0xFFFFC000  }
0x41: {  	[spmem:s1] =	stream.indirect.scatter.add.f32 [tilespmem:s13], [sflag:$0x2], $0x80, s12, s12, $0xb8;
	[tilespmem:$0x17D00] =	vst v63  }
0x42: {  	_ =	swait.ge [sflag:s11], $0x4000  }
0x43: {  	s16 =	sadd.s32 $0x1, s16;
	[sflag:s11] =	ssyncset.done $0x0  }
0x44: {  	p0 =	sne.s32 s16, s7;
	[sflag:s11] =	ssyncadd.s32 $0xFFFFC000  }
.Ltmp1:
0x45: {  	[bflag:$0x0] =	sbarrier.arrive $0xFFFF;
	(pc) =	sbr.rel @p0 .LBB2_1-.Ltmp1, $4  }
0x46: {  	[hbm:s15], [sflag:s6] =	dma.local [spmem:s10], $0x2780  }
0x47: {  	_ =	swait.ge [sflag:s11], $0x2780  }
0x48: {  	[sflag:s11] =	ssyncset.done $0x0  }
0x49: {  	[sflag:s11] =	ssyncadd.s32 $0xFFFFD880  }
0x4a: {  	_ =	sfence.sel $0x180000  }
0x4b: {  	[bflag:$0x0] =	sbarrier.arrive $0xFFFF  }
0x4c: {  	p0 =	sne.s32 s3, $0x0;
	_ =	strace $0x9000004A  }
0x4d: {  	s0 =	sadd.s32 @!p0 $0x100000, s0;
	[bflag:$0x2] =	sbarrier.arrive $0xFFFF  }
0x4e: {  	[sflag:s0] =	ssyncadd.tile.s32 @!p0 $0x1;
	_ =	shalt  }
.Lfunc_end2:
_tile_overlayer_lowered:
.L_overlay_start_2:
0x4f: {  	(tag) =	ssettag $0x2  }
0x50: {  	s0 =	rddreg [dreg:$0x0];
	s2 =	stileid.u32  }
0x51: {  	s1 =	rddreg [dreg:$0x1];
	p0 =	sne.s32 s2, $0x0  }
0x52: {  	s3 =	rddreg [dreg:$0x2];
	[bflag:$0x3] =	sbarrier.arrive $0xFFFF;
	s2 =	simm.s32 @!p0 $0x1C02  }
0x53: {  	[timem:s3], [sflag:s2] =	dma.local @!p0 [hbm:s0], s1  }
0x54: {  	s0 =	simm.s32 @!p0 $0x2  }
0x55: {  	_ =	swait.ge @!p0 [sflag:s0], s1  }
0x56: {  	s1 =	ssub.s32 @!p0 $0x0, s1;
	[sflag:s0] =	ssyncset.done @!p0 $0x0  }
0x57: {  	[sflag:s0] =	ssyncadd.s32 @!p0 s1  }
0x58: {  	[bflag:$0x3] =	sbarrier.arrive $0xFFFF  }
0x59: {  	_ =	shalt  }

// kernel: kernel.14.cloned.1.call-start
scs
__scs_entry_jumppad:
0x0: {  	(pc) =	sbr.rel $0x88, $3  }
0x1: {  	(tag) =	ssettag $0x0;
	lr =	simm.s32 $0x1  }
0x2: {  	[smem:$0x3F99] =	sst lr;
	_ =	strace $0xD0000000  }
0x3: {  	_ = 	snop  }
0x4: {  	_ = 	snop  }
0x5: {  	_ = 	snop  }
0x6: {  	_ = 	snop  }
0x7: {  	_ = 	snop  }
__scs_overlays_trampoline_lowered:
0x8: {  	[smem:$0x3FA8] =	sst s0  }
0x9: {  	[smem:$0x3FA9] =	sst s1  }
0xa: {  	[smem:$0x3FAA] =	sst s2  }
0xb: {  	[smem:$0x3FAB] =	sst s3  }
0xc: {  	[smem:$0x3FAC] =	sst s4  }
0xd: {  	[smem:$0x3FAD] =	sst s5  }
0xe: {  	[smem:$0x3FAE] =	sst s6  }
0xf: {  	[smem:$0x3FAF] =	sst s7  }
0x10: {  	[smem:$0x3FB0] =	sst s8  }
0x11: {  	[smem:$0x3FB1] =	sst s9;
	s0 =	simm.s32 @!p0 $0x0  }
0x12: {  	s1 =	sld [smem:$0x3F97];
	s0 =	simm.s32 @p0 $0x1  }
0x13: {  	[smem:$0x3FB2] =	sst s0;
	s0 =	simm.s32 @!p1 $0x0  }
0x14: {  	s2 =	sld [smem:$0x3F96];
	s0 =	simm.s32 @p1 $0x1  }
0x15: {  	[smem:$0x3FB3] =	sst s0;
	s0 =	simm.s32 @!p2 $0x0  }
0x16: {  	s3 =	sld [smem:$0x3FDB];
	s0 =	simm.s32 @p2 $0x1  }
0x17: {  	s4 =	simm.s32 $0x1BF5;
	[smem:$0x3FB5] =	sst s0  }
0x18: {  	s0 =	sld [smem:$0x3F98];
	_ =	swait.ge [sflag:s4], $0x0  }
0x19: {  	s7 =	sld [smem:$0x3F99]  }
0x1a: {  	s8 =	sadd.s32 $0xFFFFE003, lr  }
0x1b: {  	s9 =	sadd.s32 $0xFFFFFEF7, lr;
	s5 =	simm.s32 $0xFFFFFFFF;
	p2 =	slt.u32 s8, $0xFFFFF086  }
0x1c: {  	p1 =	slt.u32 s9, $0xF7A;
	s5 =	simm.s32 @!p2 $0x0  }
0x1d: {  	s5 =	simm.s32 @p1 $0x1;
	p0 =	seq.s32 s7, s2  }
0x1e: {  	s7 =	smul.u32 @!p0 $0xF7A, s2;
	p2 =	seq.s32 @!p0 s5, $0x0  }
0x1f: {  	s9 =	smul.u32 $0xF7A, s1;
	s8 =	simm.s32 @!p0 $0x1BF5;
	p2 =	por !p2, p0  }
0x20: {  	[sflag:s8] =	ssyncset.s32 @!p0 $0xFFFFF086;
	s6 =	sadd.s32 @!p0 s3, s7;
	s7 =	simm.s32 @!p0 $0x108  }
0x21: {  	s3 =	sadd.s32 s3, s9;
	s6 =	sadd.s32 @!p0 $0x88, s6;
	s7 =	simm.s32 @p2 $0x1082  }
0x22: {  	[simem:s7], [sflag:s8] =	dma.local @!p0 [hbm:s6], $0xF7A  }
0x23: {  	s9 =	sor.u32 $0xD0000000, s2;
	s6 =	simm.s32 $0x108;
	_ =	swait.ge @!p0 [sflag:s8], $0x0  }
0x24: {  	s3 =	sadd.s32 $0x88, s3;
	s6 =	simm.s32 @!p1 $0x1082;
	[sflag:s4] =	ssyncset.s32 $0xFFFFF086  }
0x25: {  	[simem:s6], [sflag:s4] =	dma.local [hbm:s3], $0xF7A  }
0x26: {  	[smem:$0x3F99] =	sst s1;
	(tag) =	ssettag s2;
	_ =	strace s9  }
0x27: {  	s1 =	sld [smem:$0x3FA9]  }
0x28: {  	s2 =	sld [smem:$0x3FAA]  }
0x29: {  	s4 =	sld [smem:$0x3FAC]  }
0x2a: {  	p0 =	seq.s32 s5, $0x0;
	s5 =	sld [smem:$0x3FAD]  }
0x2b: {  	s6 =	sld [smem:$0x3FAE]  }
0x2c: {  	s7 =	sld [smem:$0x3FAF]  }
0x2d: {  	s3 =	simm.s32 $0x108;
	s8 =	sld [smem:$0x3FB0]  }
0x2e: {  	s3 =	simm.s32 @!p0 $0x1082;
	s9 =	sld [smem:$0x3FB1]  }
0x2f: {  	lr =	sadd.s32 s0, s3;
	s0 =	sld [smem:$0x3FA8]  }
0x30: {  	s3 =	sld [smem:$0x3FAB]  }
0x31: {  	[smem:$0x3FB4] =	sst s10  }
0x32: {  	s10 =	sld [smem:$0x3FB2];
	_ =	sdelay $0x3  }
0x33: {  	p0 =	seq.s32 s10, $0x1;
	s10 =	sld [smem:$0x3FB4];
	_ =	sdelay $0x3  }
0x34: {  	[smem:$0x3FB4] =	sst s10  }
0x35: {  	s10 =	sld [smem:$0x3FB3];
	_ =	sdelay $0x3  }
0x36: {  	p1 =	seq.s32 s10, $0x1;
	s10 =	sld [smem:$0x3FB4];
	_ =	sdelay $0x3  }
0x37: {  	[smem:$0x3FB4] =	sst s10  }
0x38: {  	s10 =	sld [smem:$0x3FB5]  }
0x39: {  	_ = 	snop;
	(pc) =	sbr.ind lr, $3  }
0x3a: {  	_ = 	snop  }
0x3b: {  	_ = 	snop  }
0x3c: {  	p2 =	seq.s32 s10, $0x1;
	s10 =	sld [smem:$0x3FB4]  }
0x3d: {  	_ =	shalt  }
0x3e: {  	_ =	shalt  }
0x3f: {  	_ =	shalt  }
0x40: {  	_ =	shalt  }
0x41: {  	_ =	shalt  }
0x42: {  	_ =	shalt  }
0x43: {  	_ =	shalt  }
0x44: {  	_ =	shalt  }
0x45: {  	_ =	shalt  }
0x46: {  	_ =	shalt  }
0x47: {  	_ =	shalt  }
0x48: {  	_ =	shalt  }
0x49: {  	_ =	shalt  }
0x4a: {  	_ =	shalt  }
0x4b: {  	_ =	shalt  }
0x4c: {  	_ =	shalt  }
0x4d: {  	_ =	shalt  }
0x4e: {  	_ =	shalt  }
0x4f: {  	_ =	shalt  }
0x50: {  	_ =	shalt  }
0x51: {  	_ =	shalt  }
0x52: {  	_ =	shalt  }
0x53: {  	_ =	shalt  }
0x54: {  	_ =	shalt  }
0x55: {  	_ =	shalt  }
0x56: {  	_ =	shalt  }
0x57: {  	_ =	shalt  }
0x58: {  	_ =	shalt  }
0x59: {  	_ =	shalt  }
0x5a: {  	_ =	shalt  }
0x5b: {  	_ =	shalt  }
0x5c: {  	_ =	shalt  }
0x5d: {  	_ =	shalt  }
0x5e: {  	_ =	shalt  }
0x5f: {  	_ =	shalt  }
0x60: {  	_ =	shalt  }
0x61: {  	_ =	shalt  }
0x62: {  	_ =	shalt  }
0x63: {  	_ =	shalt  }
0x64: {  	_ =	shalt  }
0x65: {  	_ =	shalt  }
0x66: {  	_ =	shalt  }
0x67: {  	_ =	shalt  }
0x68: {  	_ =	shalt  }
0x69: {  	_ =	shalt  }
0x6a: {  	_ =	shalt  }
0x6b: {  	_ =	shalt  }
0x6c: {  	_ =	shalt  }
0x6d: {  	_ =	shalt  }
0x6e: {  	_ =	shalt  }
0x6f: {  	_ =	shalt  }
0x70: {  	_ =	shalt  }
0x71: {  	_ =	shalt  }
0x72: {  	_ =	shalt  }
0x73: {  	_ =	shalt  }
0x74: {  	_ =	shalt  }
0x75: {  	_ =	shalt  }
0x76: {  	_ =	shalt  }
0x77: {  	_ =	shalt  }
0x78: {  	_ =	shalt  }
0x79: {  	_ =	shalt  }
0x7a: {  	_ =	shalt  }
0x7b: {  	_ =	shalt  }
0x7c: {  	_ =	shalt  }
0x7d: {  	_ =	shalt  }
0x7e: {  	_ =	shalt  }
0x7f: {  	_ =	shalt  }
0x80: {  	_ =	shalt  }
0x81: {  	_ =	shalt  }
0x82: {  	_ =	shalt  }
0x83: {  	_ =	shalt  }
0x84: {  	_ =	shalt  }
0x85: {  	_ =	shalt  }
0x86: {  	_ =	shalt  }
0x87: {  	_ =	shalt  }
.Lfunc_end0:
.L_simem_size_0:
called_computation.2_lowered:
.L_overlay_start_0:
0x88: {  	s2 =	sld [smem:$0x3FD9]  }
0x89: {  	s3 =	sld [smem:$0x3FFE];
	_ =	sdelay $0x1  }
0x8a: {  	s1 =	srdreg.scid  }
0x8b: {  	s0 =	sand.u32 $0x1, s1  }
0x8c: {  	s16 =	sshll.u32 s0, $0xA;
	s2 =	sadd.s32 s3, s2  }
0x8d: {  	s2 =	sadd.s32 s2, s16  }
0x8e: {  	[smem:$0x3FC0] =	sst s2  }
0x8f: {  	_ = 	snop  }
0x90: {  	(tm) =	ssettm $0x1  }
0x91: {  	s17 =	sld [smem:$0x3FFB];
	_ =	sdelay $0x3  }
0x92: {  	_ =	strace s17  }
0x93: {  	s2 =	sld [smem:$0x3FFC];
	_ =	sdelay $0x3  }
0x94: {  	_ =	strace s2  }
0x95: {  	s2 =	sld [smem:$0x3FFD];
	_ =	sdelay $0x3  }
0x96: {  	_ =	strace s2  }
0x97: {  	_ =	strace $0x8FFFFFFF  }
0x98: {  	s18 =	sld [smem:$0x3FDB];
	_ =	sdelay $0x1  }
0x99: {  	s19 =	simm.s32 $_scs_section_size  }
0x9a: {  	s4 =	simm.s32 $_size__tile_overlayer_lowered;
	s5 =	simm.s32 $_tile_overlayer_lowered  }
0x9b: {  	s22 =	simm.s32 $0x1BFF;
	s21 =	sshll.u32 s5, $0x1;
	s2 =	sadd.s32 s19, s18  }
0x9c: {  	s6 =	simm.s32 $0x0;
	s20 =	sshll.u32 s4, $0x1;
	s4 =	sadd.s32 s21, s2  }
0x9d: {  	[timem:s6], [sflag:s22] =	dma.local [hbm:s4], s20  }
0x9e: {  	_ =	swait.ge [sflag:s22], s20  }
0x9f: {  	s3 =	ssub.s32 $0x0, s20;
	[sflag:s22] =	ssyncset.done $0x0  }
0xa0: {  	[sflag:s22] =	ssyncadd.s32 s3;
	_ =	sdelay $0x1  }
0xa1: {  	s23 =	simm.s32 $0x1B8B  }
0xa2: {  	_ =	swait.ge [sflag:s23], $0x1  }
0xa3: {  	[sflag:s23] =	ssyncset.done $0x0  }
0xa4: {  	s25 =	simm.s32 $0x1B8E;
	s24 =	sld [smem:$0x3FFE];
	[sflag:s23] =	ssyncadd.s32 $0xFFFFFFFF  }
0xa5: {  	s26 =	simm.s32 $execute0_lowered;
	[smem:$0x3FD2] =	sst s25  }
0xa6: {  	s4 =	sshll.u32 s26, $0x1;
	_ =	strace $0x8000004C;
	[dreg:$0x1] =	wrdreg $0xFFFFFFFF  }
0xa7: {  	s28 =	simm.s32 $_size_execute0_lowered;
	s2 =	sadd.s32 s2, s4;
	[dreg:$0x0] =	wrdreg $0x0  }
0xa8: {  	s4 =	sshll.u32 s28, $0x1;
	[dreg:$0x2] =	wrdreg s2  }
0xa9: {  	[dreg:$0x3] =	wrdreg s4  }
0xaa: {  	[dreg:$0x4] =	wrdreg $0xC0  }
0xab: {  	_ =	task [dreg:s6], $0x5FFFF  }
0xac: {  	[dreg:$0x1] =	wrdreg $0xFFFFFFFF  }
0xad: {  	[dreg:$0x0] =	wrdreg $0x60  }
0xae: {  	[dreg:$0x2] =	wrdreg s24  }
0xaf: {  	[dreg:$0x3] =	wrdreg $0x41000  }
0xb0: {  	[dreg:$0x4] =	wrdreg $0x9  }
0xb1: {  	_ =	task.clear_ibuf [dreg:s6], $0x5FFFF;
	_ =	strace $0x9000004C  }
0xb2: {  	s29 =	simm.s32 $0x9;
	_ =	strace $0x8000004E  }
0xb3: {  	_ =	swait.ge [sflag:s29], $0x1  }
0xb4: {  	[sflag:s29] =	ssyncadd.s32 $0xFFFFFFFF  }
0xb5: {  	_ =	strace $0x9000004E  }
0xb6: {  	_ =	sfence  }
0xb7: {  	s30 =	sld [smem:$0x0];
	_ =	sdelay $0x2  }
0xb8: {  	s31 =	sshll.u32 s1, $0xD;
	s1 =	sshrl.u32 s1, $0x2  }
0xb9: {  	s3 =	sand.u32 $0x4000, s31;
	s1 =	sadd.s32 s1, s30  }
0xba: {  	s0 =	sor.u32 s3, s0;
	s1 =	sshll.u32 s1, $0x11  }
0xbb: {  	s0 =	sor.u32 s1, s0  }
0xbc: {  	s0 =	sadd.s32 $0x8F2B, s0  }
0xbd: {  	[sflag:s0] =	ssyncadd.remote.s32 $0x1  }
0xbe: {  	_ =	sfence.sel $0xFFFF  }
0xbf: {  	[dreg:$0x0] =	wrdreg $0xFFFFFFFF;
	(pc) =	sbr.abs _section_cstart, $3  }
0xc0: {  	[dreg:$0x1] =	wrdreg $0xFFFFFFFF  }
0xc1: {  	_ =	task.clear_ibuf [dreg:s6], $0x2FFFF;
	_ =	strace $0x9FFFFFFF  }
0xc2: {  	(tm) =	ssettm $0x7FFFFFFF  }
0xc3: {  	_ =	shalt  }
tec
execute0_lowered:
.L_overlay_start_1:
0x0: {  	(tag) =	ssettag $0x1  }
0x1: {  	s5 =	rddreg [dreg:$0x0]  }
0x2: {  	s1 =	rddreg [dreg:$0x1];
	s3 =	srdreg.scid  }
0x3: {  	s0 =	rddreg [dreg:$0x2];
	s6 =	sand.u32 $0x1, s3  }
0x4: {  	s2 =	simm.s32 $0x0;
	s3 =	stileid.u32;
	s7 =	smul.u32 $0x5000, s6  }
0x5: {  	s13 =	simm.s32 $0x100;
	s14 =	simm.s32 $0x1;
	s15 =	smul.u32 $0x2780, s3  }
0x6: {  	[smem:$0x7FF] =	sst s2;
	s4 =	sadd.s32 $0x65C00, s5;
	s8 =	smul.u32 $0x27800, s6  }
0x7: {  	_ =	strace $0x8000004D;
	s6 =	ssub.s32 $0x2, s6;
	s10 =	smul.u32 $0x4F000, s3  }
0x8: {  	s30 =	sshll.u32 s3, $0x6;
	s31 =	smul.u32 $0x500, s3;
	s28 =	sshrl.u32 s6, $0x1  }
0x9: {  	s9 =	sadd.s32 s7, s5;
	s11 =	sadd.s32 s15, s5;
	s8 =	sadd.s32 s8, s5  }
0xa: {  	s7 =	ssub.s32 s6, s28;
	s29 =	sshrl.u32 s10, $0x2;
	s6 =	sor.u32 $0x1C02, s30  }
0xb: {  	s12 =	sadd.s32 s29, s1;
	s5 =	sadd.s32 $0x8CE00, s11;
	s16 =	sadd.s32 $0xB4600, s8  }
0xc: {  	s7 =	smax.u32 s7, $0x1;
	s9 =	sadd.s32 s31, s9;
	s11 =	simm.s32 $0x2  }
0xd: {  	s8 =	sadd.s32 $0x2E00, s9;
	s9 =	sadd.s32 $0xD800, s9;
	s10 =	sshrl.u32 s12, $0x3  }
0xe: {  	s12 =	simm.s32 $0x80;
	s15 =	sadd.s32 s15, s16;
	s16 =	simm.s32 $0x0  }
.LBB2_1:
0xf: {  	[spmem:s10], [sflag:s6] =	dma.local [hbm:s5], $0x2780  }
0x10: {  	_ =	swait.ge [sflag:s11], $0x2780  }
0x11: {  	[sflag:s11] =	ssyncset.done $0x0  }
0x12: {  	[sflag:s11] =	ssyncadd.s32 $0xFFFFD880  }
0x13: {  	s17 =	sadd.s32 $0x0, s9;
	[bflag:$0x0] =	sbarrier.arrive $0xFFFF  }
0x14: {  	[tilespmem:s2], [sflag:$0x2] =	stream.linear.gather [hbm4b:s17+s2], $0x80, $0x38;
	[tilespmem:$0x17D00] =	vst v63  }
0x15: {  	_ =	swait.ge [sflag:s11], $0x80  }
0x16: {  	[sflag:s11] =	ssyncset.done $0x0  }
0x17: {  	s31 =	sadd.s32 $0x0, s8;
	[sflag:s11] =	ssyncadd.s32 $0xFFFFFF80  }
0x18: {  	[tilespmem:s12], [sflag:$0x2] =	stream.linear.gather [hbm4b:s31+s2], $0x80, $0x38;
	[tilespmem:$0x17D00] =	vst v63  }
0x19: {  	_ =	swait.ge [sflag:s11], $0x80  }
0x1a: {  	[sflag:s11] =	ssyncset.done $0x0  }
0x1b: {  	[sflag:s11] =	ssyncadd.s32 $0xFFFFFF80  }
0x1c: {  	[tilespmem:s13], [sflag:$0x1] =	stream.indirect.gather [hbm4b:s4+s12], $0x80, s2, s12, $0xb8;
	[tilespmem:$0x17D00] =	vst v63  }
0x1d: {  	_ =	swait.ge [sflag:s14], $0x4000  }
0x1e: {  	[sflag:s14] =	ssyncset.done $0x0  }
0x1f: {  	[sflag:s14] =	ssyncadd.s32 $0xFFFFC000  }
0x20: {  	[spmem:s1] =	stream.indirect.scatter.add.f32 [tilespmem:s13], [sflag:$0x2], $0x80, s12, s12, $0xb8;
	[tilespmem:$0x17D00] =	vst v63  }
0x21: {  	_ =	swait.ge [sflag:s11], $0x4000  }
0x22: {  	s18 =	simm.s32 $0x20;
	s17 =	simm.s32 $0x10;
	[sflag:s11] =	ssyncset.done $0x0  }
.LBB2_2:
0x23: {  	s19 =	sadd.s32 s17, s9  }
0x24: {  	[sflag:s11] =	ssyncadd.s32 $0xFFFFC000;
	s20 =	smov.u32 s18;
	s21 =	sadd.s32 $0x10, s18  }
0x25: {  	[tilespmem:s2], [sflag:$0x2] =	stream.linear.gather [hbm4b:s19+s2], $0x80, $0x38;
	[tilespmem:$0x17D00] =	vst v63  }
0x26: {  	p0 =	sne.s32 s18, $0x4F0;
	_ =	swait.ge [sflag:s11], $0x80  }
0x27: {  	[sflag:s11] =	ssyncset.done $0x0  }
0x28: {  	s18 =	sadd.s32 s17, s8;
	s17 =	smov.u32 s20;
	[sflag:s11] =	ssyncadd.s32 $0xFFFFFF80  }
0x29: {  	[tilespmem:s12], [sflag:$0x2] =	stream.linear.gather [hbm4b:s18+s2], $0x80, $0x38;
	[tilespmem:$0x17D00] =	vst v63  }
0x2a: {  	_ =	swait.ge [sflag:s11], $0x80  }
0x2b: {  	[sflag:s11] =	ssyncset.done $0x0  }
0x2c: {  	[sflag:s11] =	ssyncadd.s32 $0xFFFFFF80  }
0x2d: {  	[tilespmem:s13], [sflag:$0x1] =	stream.indirect.gather [hbm4b:s4+s12], $0x80, s2, s12, $0xb8;
	[tilespmem:$0x17D00] =	vst v63  }
0x2e: {  	_ =	swait.ge [sflag:s14], $0x4000  }
.Ltmp0:
0x2f: {  	[sflag:s14] =	ssyncset.done $0x0;
	(pc) =	sbr.rel @p0 .LBB2_2-.Ltmp0, $4  }
0x30: {  	[sflag:s14] =	ssyncadd.s32 $0xFFFFC000  }
0x31: {  	[spmem:s1] =	stream.indirect.scatter.add.f32 [tilespmem:s13], [sflag:$0x2], $0x80, s12, s12, $0xb8;
	[tilespmem:$0x17D00] =	vst v63  }
0x32: {  	_ =	swait.ge [sflag:s11], $0x4000  }
0x33: {  	s18 =	smov.u32 s21;
	[sflag:s11] =	ssyncset.done $0x0  }
0x34: {  	s18 =	sadd.s32 s17, s9;
	[sflag:s11] =	ssyncadd.s32 $0xFFFFC000  }
0x35: {  	[tilespmem:s2], [sflag:$0x2] =	stream.linear.gather [hbm4b:s18+s2], $0x80, $0x38;
	[tilespmem:$0x17D00] =	vst v63  }
0x36: {  	_ =	swait.ge [sflag:s11], $0x80  }
0x37: {  	[sflag:s11] =	ssyncset.done $0x0  }
0x38: {  	s31 =	sadd.s32 s17, s8;
	[sflag:s11] =	ssyncadd.s32 $0xFFFFFF80  }
0x39: {  	[tilespmem:s12], [sflag:$0x2] =	stream.linear.gather [hbm4b:s31+s2], $0x80, $0x38;
	[tilespmem:$0x17D00] =	vst v63  }
0x3a: {  	_ =	swait.ge [sflag:s11], $0x80  }
0x3b: {  	[sflag:s11] =	ssyncset.done $0x0  }
0x3c: {  	[sflag:s11] =	ssyncadd.s32 $0xFFFFFF80  }
0x3d: {  	[tilespmem:s13], [sflag:$0x1] =	stream.indirect.gather [hbm4b:s4+s12], $0x80, s2, s12, $0xb8;
	[tilespmem:$0x17D00] =	vst v63  }
0x3e: {  	_ =	swait.ge [sflag:s14], $0x4000  }
0x3f: {  	[sflag:s14] =	ssyncset.done $0x0  }
0x40: {  	[sflag:s14] =	ssyncadd.s32 $0xFFFFC000  }
0x41: {  	[spmem:s1] =	stream.indirect.scatter.add.f32 [tilespmem:s13], [sflag:$0x2], $0x80, s12, s12, $0xb8;
	[tilespmem:$0x17D00] =	vst v63  }
0x42: {  	_ =	swait.ge [sflag:s11], $0x4000  }
0x43: {  	s16 =	sadd.s32 $0x1, s16;
	[sflag:s11] =	ssyncset.done $0x0  }
0x44: {  	p0 =	sne.s32 s16, s7;
	[sflag:s11] =	ssyncadd.s32 $0xFFFFC000  }
.Ltmp1:
0x45: {  	[bflag:$0x0] =	sbarrier.arrive $0xFFFF;
	(pc) =	sbr.rel @p0 .LBB2_1-.Ltmp1, $4  }
0x46: {  	[hbm:s15], [sflag:s6] =	dma.local [spmem:s10], $0x2780  }
0x47: {  	_ =	swait.ge [sflag:s11], $0x2780  }
0x48: {  	[sflag:s11] =	ssyncset.done $0x0  }
0x49: {  	[sflag:s11] =	ssyncadd.s32 $0xFFFFD880  }
0x4a: {  	_ =	sfence.sel $0x180000  }
0x4b: {  	[bflag:$0x0] =	sbarrier.arrive $0xFFFF  }
0x4c: {  	p0 =	sne.s32 s3, $0x0;
	_ =	strace $0x9000004D  }
0x4d: {  	s0 =	sadd.s32 @!p0 $0x100000, s0;
	[bflag:$0x2] =	sbarrier.arrive $0xFFFF  }
0x4e: {  	[sflag:s0] =	ssyncadd.tile.s32 @!p0 $0x1;
	_ =	shalt  }
.Lfunc_end2:
_tile_overlayer_lowered:
.L_overlay_start_2:
0x4f: {  	(tag) =	ssettag $0x2  }
0x50: {  	s0 =	rddreg [dreg:$0x0];
	s2 =	stileid.u32  }
0x51: {  	s1 =	rddreg [dreg:$0x1];
	p0 =	sne.s32 s2, $0x0  }
0x52: {  	s3 =	rddreg [dreg:$0x2];
	[bflag:$0x3] =	sbarrier.arrive $0xFFFF;
	s2 =	simm.s32 @!p0 $0x1C02  }
0x53: {  	[timem:s3], [sflag:s2] =	dma.local @!p0 [hbm:s0], s1  }
0x54: {  	s0 =	simm.s32 @!p0 $0x2  }
0x55: {  	_ =	swait.ge @!p0 [sflag:s0], s1  }
0x56: {  	s1 =	ssub.s32 @!p0 $0x0, s1;
	[sflag:s0] =	ssyncset.done @!p0 $0x0  }
0x57: {  	[sflag:s0] =	ssyncadd.s32 @!p0 s1  }
0x58: {  	[bflag:$0x3] =	sbarrier.arrive $0xFFFF  }
0x59: {  	_ =	shalt  }

// kernel: kernel.8.cloned.1.call-start
scs
__scs_entry_jumppad:
0x0: {  	(pc) =	sbr.rel $0x88, $3  }
0x1: {  	(tag) =	ssettag $0x0;
	lr =	simm.s32 $0x1  }
0x2: {  	[smem:$0x3F99] =	sst lr;
	_ =	strace $0xD0000000  }
0x3: {  	_ = 	snop  }
0x4: {  	_ = 	snop  }
0x5: {  	_ = 	snop  }
0x6: {  	_ = 	snop  }
0x7: {  	_ = 	snop  }
__scs_overlays_trampoline_lowered:
0x8: {  	[smem:$0x3FA8] =	sst s0  }
0x9: {  	[smem:$0x3FA9] =	sst s1  }
0xa: {  	[smem:$0x3FAA] =	sst s2  }
0xb: {  	[smem:$0x3FAB] =	sst s3  }
0xc: {  	[smem:$0x3FAC] =	sst s4  }
0xd: {  	[smem:$0x3FAD] =	sst s5  }
0xe: {  	[smem:$0x3FAE] =	sst s6  }
0xf: {  	[smem:$0x3FAF] =	sst s7  }
0x10: {  	[smem:$0x3FB0] =	sst s8  }
0x11: {  	[smem:$0x3FB1] =	sst s9;
	s0 =	simm.s32 @!p0 $0x0  }
0x12: {  	s1 =	sld [smem:$0x3F97];
	s0 =	simm.s32 @p0 $0x1  }
0x13: {  	[smem:$0x3FB2] =	sst s0;
	s0 =	simm.s32 @!p1 $0x0  }
0x14: {  	s2 =	sld [smem:$0x3F96];
	s0 =	simm.s32 @p1 $0x1  }
0x15: {  	[smem:$0x3FB3] =	sst s0;
	s0 =	simm.s32 @!p2 $0x0  }
0x16: {  	s3 =	sld [smem:$0x3FDB];
	s0 =	simm.s32 @p2 $0x1  }
0x17: {  	s4 =	simm.s32 $0x1BF5;
	[smem:$0x3FB5] =	sst s0  }
0x18: {  	s0 =	sld [smem:$0x3F98];
	_ =	swait.ge [sflag:s4], $0x0  }
0x19: {  	s7 =	sld [smem:$0x3F99]  }
0x1a: {  	s8 =	sadd.s32 $0xFFFFE003, lr  }
0x1b: {  	s9 =	sadd.s32 $0xFFFFFEF7, lr;
	s5 =	simm.s32 $0xFFFFFFFF;
	p2 =	slt.u32 s8, $0xFFFFF086  }
0x1c: {  	p1 =	slt.u32 s9, $0xF7A;
	s5 =	simm.s32 @!p2 $0x0  }
0x1d: {  	s5 =	simm.s32 @p1 $0x1;
	p0 =	seq.s32 s7, s2  }
0x1e: {  	s7 =	smul.u32 @!p0 $0xF7A, s2;
	p2 =	seq.s32 @!p0 s5, $0x0  }
0x1f: {  	s9 =	smul.u32 $0xF7A, s1;
	s8 =	simm.s32 @!p0 $0x1BF5;
	p2 =	por !p2, p0  }
0x20: {  	[sflag:s8] =	ssyncset.s32 @!p0 $0xFFFFF086;
	s6 =	sadd.s32 @!p0 s3, s7;
	s7 =	simm.s32 @!p0 $0x108  }
0x21: {  	s3 =	sadd.s32 s3, s9;
	s6 =	sadd.s32 @!p0 $0x88, s6;
	s7 =	simm.s32 @p2 $0x1082  }
0x22: {  	[simem:s7], [sflag:s8] =	dma.local @!p0 [hbm:s6], $0xF7A  }
0x23: {  	s9 =	sor.u32 $0xD0000000, s2;
	s6 =	simm.s32 $0x108;
	_ =	swait.ge @!p0 [sflag:s8], $0x0  }
0x24: {  	s3 =	sadd.s32 $0x88, s3;
	s6 =	simm.s32 @!p1 $0x1082;
	[sflag:s4] =	ssyncset.s32 $0xFFFFF086  }
0x25: {  	[simem:s6], [sflag:s4] =	dma.local [hbm:s3], $0xF7A  }
0x26: {  	[smem:$0x3F99] =	sst s1;
	(tag) =	ssettag s2;
	_ =	strace s9  }
0x27: {  	s1 =	sld [smem:$0x3FA9]  }
0x28: {  	s2 =	sld [smem:$0x3FAA]  }
0x29: {  	s4 =	sld [smem:$0x3FAC]  }
0x2a: {  	p0 =	seq.s32 s5, $0x0;
	s5 =	sld [smem:$0x3FAD]  }
0x2b: {  	s6 =	sld [smem:$0x3FAE]  }
0x2c: {  	s7 =	sld [smem:$0x3FAF]  }
0x2d: {  	s3 =	simm.s32 $0x108;
	s8 =	sld [smem:$0x3FB0]  }
0x2e: {  	s3 =	simm.s32 @!p0 $0x1082;
	s9 =	sld [smem:$0x3FB1]  }
0x2f: {  	lr =	sadd.s32 s0, s3;
	s0 =	sld [smem:$0x3FA8]  }
0x30: {  	s3 =	sld [smem:$0x3FAB]  }
0x31: {  	[smem:$0x3FB4] =	sst s10  }
0x32: {  	s10 =	sld [smem:$0x3FB2];
	_ =	sdelay $0x3  }
0x33: {  	p0 =	seq.s32 s10, $0x1;
	s10 =	sld [smem:$0x3FB4];
	_ =	sdelay $0x3  }
0x34: {  	[smem:$0x3FB4] =	sst s10  }
0x35: {  	s10 =	sld [smem:$0x3FB3];
	_ =	sdelay $0x3  }
0x36: {  	p1 =	seq.s32 s10, $0x1;
	s10 =	sld [smem:$0x3FB4];
	_ =	sdelay $0x3  }
0x37: {  	[smem:$0x3FB4] =	sst s10  }
0x38: {  	s10 =	sld [smem:$0x3FB5]  }
0x39: {  	_ = 	snop;
	(pc) =	sbr.ind lr, $3  }
0x3a: {  	_ = 	snop  }
0x3b: {  	_ = 	snop  }
0x3c: {  	p2 =	seq.s32 s10, $0x1;
	s10 =	sld [smem:$0x3FB4]  }
0x3d: {  	_ =	shalt  }
0x3e: {  	_ =	shalt  }
0x3f: {  	_ =	shalt  }
0x40: {  	_ =	shalt  }
0x41: {  	_ =	shalt  }
0x42: {  	_ =	shalt  }
0x43: {  	_ =	shalt  }
0x44: {  	_ =	shalt  }
0x45: {  	_ =	shalt  }
0x46: {  	_ =	shalt  }
0x47: {  	_ =	shalt  }
0x48: {  	_ =	shalt  }
0x49: {  	_ =	shalt  }
0x4a: {  	_ =	shalt  }
0x4b: {  	_ =	shalt  }
0x4c: {  	_ =	shalt  }
0x4d: {  	_ =	shalt  }
0x4e: {  	_ =	shalt  }
0x4f: {  	_ =	shalt  }
0x50: {  	_ =	shalt  }
0x51: {  	_ =	shalt  }
0x52: {  	_ =	shalt  }
0x53: {  	_ =	shalt  }
0x54: {  	_ =	shalt  }
0x55: {  	_ =	shalt  }
0x56: {  	_ =	shalt  }
0x57: {  	_ =	shalt  }
0x58: {  	_ =	shalt  }
0x59: {  	_ =	shalt  }
0x5a: {  	_ =	shalt  }
0x5b: {  	_ =	shalt  }
0x5c: {  	_ =	shalt  }
0x5d: {  	_ =	shalt  }
0x5e: {  	_ =	shalt  }
0x5f: {  	_ =	shalt  }
0x60: {  	_ =	shalt  }
0x61: {  	_ =	shalt  }
0x62: {  	_ =	shalt  }
0x63: {  	_ =	shalt  }
0x64: {  	_ =	shalt  }
0x65: {  	_ =	shalt  }
0x66: {  	_ =	shalt  }
0x67: {  	_ =	shalt  }
0x68: {  	_ =	shalt  }
0x69: {  	_ =	shalt  }
0x6a: {  	_ =	shalt  }
0x6b: {  	_ =	shalt  }
0x6c: {  	_ =	shalt  }
0x6d: {  	_ =	shalt  }
0x6e: {  	_ =	shalt  }
0x6f: {  	_ =	shalt  }
0x70: {  	_ =	shalt  }
0x71: {  	_ =	shalt  }
0x72: {  	_ =	shalt  }
0x73: {  	_ =	shalt  }
0x74: {  	_ =	shalt  }
0x75: {  	_ =	shalt  }
0x76: {  	_ =	shalt  }
0x77: {  	_ =	shalt  }
0x78: {  	_ =	shalt  }
0x79: {  	_ =	shalt  }
0x7a: {  	_ =	shalt  }
0x7b: {  	_ =	shalt  }
0x7c: {  	_ =	shalt  }
0x7d: {  	_ =	shalt  }
0x7e: {  	_ =	shalt  }
0x7f: {  	_ =	shalt  }
0x80: {  	_ =	shalt  }
0x81: {  	_ =	shalt  }
0x82: {  	_ =	shalt  }
0x83: {  	_ =	shalt  }
0x84: {  	_ =	shalt  }
0x85: {  	_ =	shalt  }
0x86: {  	_ =	shalt  }
0x87: {  	_ =	shalt  }
.Lfunc_end0:
.L_simem_size_0:
called_computation_lowered:
.L_overlay_start_0:
0x88: {  	s2 =	sld [smem:$0x3FD9]  }
0x89: {  	s3 =	sld [smem:$0x3FFE];
	_ =	sdelay $0x1  }
0x8a: {  	s1 =	srdreg.scid  }
0x8b: {  	s0 =	sand.u32 $0x1, s1  }
0x8c: {  	s16 =	sshll.u32 s0, $0xA;
	s2 =	sadd.s32 s3, s2  }
0x8d: {  	s2 =	sadd.s32 s2, s16  }
0x8e: {  	[smem:$0x3FC0] =	sst s2  }
0x8f: {  	_ = 	snop  }
0x90: {  	(tm) =	ssettm $0x1  }
0x91: {  	s17 =	sld [smem:$0x3FFB];
	_ =	sdelay $0x3  }
0x92: {  	_ =	strace s17  }
0x93: {  	s2 =	sld [smem:$0x3FFC];
	_ =	sdelay $0x3  }
0x94: {  	_ =	strace s2  }
0x95: {  	s2 =	sld [smem:$0x3FFD];
	_ =	sdelay $0x3  }
0x96: {  	_ =	strace s2  }
0x97: {  	_ =	strace $0x8FFFFFFF  }
0x98: {  	s18 =	sld [smem:$0x3FDB];
	_ =	sdelay $0x1  }
0x99: {  	s19 =	simm.s32 $_scs_section_size  }
0x9a: {  	s4 =	simm.s32 $_size__tile_overlayer_lowered;
	s5 =	simm.s32 $_tile_overlayer_lowered  }
0x9b: {  	s22 =	simm.s32 $0x1BFF;
	s21 =	sshll.u32 s5, $0x1;
	s2 =	sadd.s32 s19, s18  }
0x9c: {  	s6 =	simm.s32 $0x0;
	s20 =	sshll.u32 s4, $0x1;
	s4 =	sadd.s32 s21, s2  }
0x9d: {  	[timem:s6], [sflag:s22] =	dma.local [hbm:s4], s20  }
0x9e: {  	_ =	swait.ge [sflag:s22], s20  }
0x9f: {  	s3 =	ssub.s32 $0x0, s20;
	[sflag:s22] =	ssyncset.done $0x0  }
0xa0: {  	[sflag:s22] =	ssyncadd.s32 s3;
	_ =	sdelay $0x1  }
0xa1: {  	s23 =	simm.s32 $0x1B8B  }
0xa2: {  	_ =	swait.ge [sflag:s23], $0x1  }
0xa3: {  	[sflag:s23] =	ssyncset.done $0x0  }
0xa4: {  	s25 =	simm.s32 $0x1B8E;
	s24 =	sld [smem:$0x3FFE];
	[sflag:s23] =	ssyncadd.s32 $0xFFFFFFFF  }
0xa5: {  	s26 =	simm.s32 $execute0_lowered;
	[smem:$0x3FD2] =	sst s25  }
0xa6: {  	s4 =	sshll.u32 s26, $0x1;
	_ =	strace $0x80000046;
	[dreg:$0x1] =	wrdreg $0xFFFFFFFF  }
0xa7: {  	s28 =	simm.s32 $_size_execute0_lowered;
	s2 =	sadd.s32 s2, s4;
	[dreg:$0x0] =	wrdreg $0x0  }
0xa8: {  	s4 =	sshll.u32 s28, $0x1;
	[dreg:$0x2] =	wrdreg s2  }
0xa9: {  	[dreg:$0x3] =	wrdreg s4  }
0xaa: {  	[dreg:$0x4] =	wrdreg $0xC0  }
0xab: {  	_ =	task [dreg:s6], $0x5FFFF  }
0xac: {  	[dreg:$0x1] =	wrdreg $0xFFFFFFFF  }
0xad: {  	[dreg:$0x0] =	wrdreg $0x60  }
0xae: {  	[dreg:$0x2] =	wrdreg s24  }
0xaf: {  	[dreg:$0x3] =	wrdreg $0x2D000  }
0xb0: {  	[dreg:$0x4] =	wrdreg $0x9  }
0xb1: {  	_ =	task.clear_ibuf [dreg:s6], $0x5FFFF;
	_ =	strace $0x90000046  }
0xb2: {  	s29 =	simm.s32 $0x9;
	_ =	strace $0x80000048  }
0xb3: {  	_ =	swait.ge [sflag:s29], $0x1  }
0xb4: {  	[sflag:s29] =	ssyncadd.s32 $0xFFFFFFFF  }
0xb5: {  	_ =	strace $0x90000048  }
0xb6: {  	_ =	sfence  }
0xb7: {  	s30 =	sld [smem:$0x0];
	_ =	sdelay $0x2  }
0xb8: {  	s31 =	sshll.u32 s1, $0xD;
	s1 =	sshrl.u32 s1, $0x2  }
0xb9: {  	s3 =	sand.u32 $0x4000, s31;
	s1 =	sadd.s32 s1, s30  }
0xba: {  	s0 =	sor.u32 s3, s0;
	s1 =	sshll.u32 s1, $0x11  }
0xbb: {  	s0 =	sor.u32 s1, s0  }
0xbc: {  	s0 =	sadd.s32 $0x8F2B, s0  }
0xbd: {  	[sflag:s0] =	ssyncadd.remote.s32 $0x1  }
0xbe: {  	_ =	sfence.sel $0xFFFF  }
0xbf: {  	[dreg:$0x0] =	wrdreg $0xFFFFFFFF;
	(pc) =	sbr.abs _section_cstart, $3  }
0xc0: {  	[dreg:$0x1] =	wrdreg $0xFFFFFFFF  }
0xc1: {  	_ =	task.clear_ibuf [dreg:s6], $0x2FFFF;
	_ =	strace $0x9FFFFFFF  }
0xc2: {  	(tm) =	ssettm $0x7FFFFFFF  }
0xc3: {  	_ =	shalt  }
tec
execute0_lowered:
.L_overlay_start_1:
0x0: {  	(tag) =	ssettag $0x1  }
0x1: {  	s2 =	srdreg.scid  }
0x2: {  	s3 =	rddreg [dreg:$0x0];
	s5 =	sand.u32 $0x1, s2  }
0x3: {  	s4 =	rddreg [dreg:$0x1];
	s6 =	smul.u32 $0x5000, s5  }
0x4: {  	s2 =	stileid.u32;
	s7 =	smul.u32 $0x4F0, s5  }
0x5: {  	s0 =	rddreg [dreg:$0x2];
	s1 =	simm.s32 $0x0;
	s8 =	smul.u32 $0x9E00, s2  }
0x6: {  	[smem:$0x7FF] =	sst s1;
	s9 =	smul.u32 $0x278, s2  }
0x7: {  	_ =	strace $0x80000047;
	s5 =	ssub.s32 $0x2, s5;
	s11 =	smul.u32 $0x500, s2  }
0x8: {  	s10 =	sshrl.u32 s5, $0x1;
	s6 =	sadd.s32 s6, s3;
	s8 =	sshrl.u32 s8, $0x2  }
0x9: {  	s7 =	sadd.s32 s7, s3;
	s5 =	ssub.s32 s5, s10;
	s31 =	sshrl.u32 s9, $0x3  }
0xa: {  	s10 =	simm.s32 $0x2800;
	s3 =	sadd.s32 s8, s4;
	s4 =	sadd.s32 s9, s4  }
0xb: {  	s12 =	sadd.s32 $0xCE00, s7;
	s6 =	sadd.s32 s11, s6;
	s5 =	smax.u32 s5, $0x1  }
0xc: {  	s7 =	simm.s32 $0x1;
	s8 =	simm.s32 $0x80;
	s9 =	simm.s32 $0x2A80  }
0xd: {  	v0 =	vimm.f32 $0.0e+00;
	v1 =	vimm.f32 $1.000000000e+00;
	s6 =	sadd.s32 $0x2E00, s6;
	s11 =	sadd.s32 s31, s12;
	s12 =	simm.s32 $0x0  }
.LBB2_1:
0xe: {  	s13 =	simm.s32 $0x0  }
.LBB2_2:
0xf: {  	p0 =	sne.s32 s13, $0x9DC0  }
.Ltmp0:
0x10: {  	_ = 	snop;
	(pc) =	sbr.rel @p0 .LBB2_2-.Ltmp0, $3  }
0x11: {  	_ =	sdelay $0x1  }
0x12: {  	s14 =	sshra.s32 s13, $0x2  }
0x13: {  	s13 =	sadd.s32 $0x40, s13;
	[tilespmem:s14+$0x80] =	vst v0  }
0x14: {  	s13 =	simm.s32 $0x0  }
.LBB2_4:
0x15: {  	s14 =	sadd.s32 s13, s6  }
0x16: {  	[tilespmem:s1], [sflag:$0x1] =	stream.linear.gather [hbm4b:s14+s1], $0x80, $0x38;
	[tilespmem:$0x5480] =	vst v63  }
0x17: {  	_ =	swait.ge [sflag:s7], $0x80  }
0x18: {  	[sflag:s7] =	ssyncset.done $0x0  }
0x19: {  	[sflag:s7] =	ssyncadd.s32 $0xFFFFFF80  }
0x1a: {  	v2 =	vld [tilespmem:$0x0];
	_ =	sdelay $0x7  }
0x1b: {  	[tilespmem:v2+s8+$0x0] =	vst.idx.add.f32.msk $0xffff, v1  }
0x1c: {  	v2 =	vld [tilespmem:$0x10];
	_ =	sdelay $0x7  }
0x1d: {  	[tilespmem:v2+s8+$0x0] =	vst.idx.add.f32.msk $0xffff, v1  }
0x1e: {  	v2 =	vld [tilespmem:$0x20];
	_ =	sdelay $0x7  }
0x1f: {  	[tilespmem:v2+s8+$0x0] =	vst.idx.add.f32.msk $0xffff, v1  }
0x20: {  	v2 =	vld [tilespmem:$0x30];
	_ =	sdelay $0x7  }
0x21: {  	[tilespmem:v2+s8+$0x0] =	vst.idx.add.f32.msk $0xffff, v1  }
0x22: {  	v2 =	vld [tilespmem:$0x40];
	_ =	sdelay $0x7  }
0x23: {  	[tilespmem:v2+s8+$0x0] =	vst.idx.add.f32.msk $0xffff, v1  }
0x24: {  	v2 =	vld [tilespmem:$0x50];
	_ =	sdelay $0x7  }
0x25: {  	[tilespmem:v2+s8+$0x0] =	vst.idx.add.f32.msk $0xffff, v1  }
0x26: {  	v2 =	vld [tilespmem:$0x60];
	_ =	sdelay $0x7  }
0x27: {  	[tilespmem:v2+s8+$0x0] =	vst.idx.add.f32.msk $0xffff, v1  }
0x28: {  	v2 =	vld [tilespmem:$0x70];
	_ =	sdelay $0x2  }
0x29: {  	p0 =	sne.s32 s13, $0x4F0  }
.Ltmp1:
0x2a: {  	_ = 	snop;
	(pc) =	sbr.rel @p0 .LBB2_4-.Ltmp1, $2  }
0x2b: {  	_ =	sdelay $0x2  }
0x2c: {  	s13 =	sadd.s32 $0x10, s13;
	[tilespmem:v2+s8+$0x0] =	vst.idx.add.f32.msk $0xffff, v1  }
0x2d: {  	[spmem:s3] =	stream.linear.scatter [tilespmem:s8], [sflag:$0x1], $0x2780, $0x38;
	[tilespmem:$0x5480] =	vst v63  }
0x2e: {  	_ =	swait.ge [sflag:s7], $0x2780  }
0x2f: {  	[sflag:s7] =	ssyncset.done $0x0  }
0x30: {  	[sflag:s7] =	ssyncadd.s32 $0xFFFFD880  }
0x31: {  	[bflag:$0x0] =	sbarrier.arrive $0xFFFF  }
0x32: {  	[tilespmem:s9], [sflag:$0x1] =	stream.linear.gather [spmem:s4], $0x278, $0x38;
	[tilespmem:$0x5480] =	vst v63  }
0x33: {  	_ =	swait.ge [sflag:s7], $0x278  }
0x34: {  	[sflag:s7] =	ssyncset.done $0x0  }
0x35: {  	s13 =	simm.s32 $0x0;
	[sflag:s7] =	ssyncadd.s32 $0xFFFFFD88  }
.LBB2_7:
0x36: {  	s13 =	sadd.s32 $0x1, s13  }
0x37: {  	s14 =	smul.u32 $0x9E00, s13;
	_ =	sdelay $0x1  }
0x38: {  	s14 =	sshra.s32 s14, $0x2  }
0x39: {  	s14 =	sadd.s32 s14, s4  }
0x3a: {  	[tilespmem:s10], [sflag:$0x1] =	stream.linear.gather [spmem:s14], $0x278, $0x38;
	[tilespmem:$0x5480] =	vst v63  }
0x3b: {  	_ =	swait.ge [sflag:s7], $0x278  }
0x3c: {  	[sflag:s7] =	ssyncset.done $0x0  }
0x3d: {  	s14 =	simm.s32 $0x0;
	[sflag:s7] =	ssyncadd.s32 $0xFFFFFD88  }
0x3e: {  	s15 =	simm.s32 $0x40;
	v2 =	vld [tilespmem:s14+$0x2800]  }
.LBB2_8:
0x3f: {  	p0 =	seq.s32 s15, $0x9C0;
	v3 =	vld [tilespmem:s14+$0x2A80];
	_ =	sdelay $0x2  }
.Ltmp2:
0x40: {  	(pc) =	sbr.rel @!p0 .LBB2_8-.Ltmp2, $4  }
0x41: {  	_ = 	snop  }
0x42: {  	v3 =	vadd.f32 v2, v3  }
0x43: {  	s16 =	sshra.s32 s15, $0x2  }
0x44: {  	s15 =	sadd.s32 $0x40, s15;
	v2 =	vld [tilespmem:s16+$0x2800];
	[tilespmem:s14+$0x2A80] =	vst v3;
	s14 =	smov.u32 s16  }
0x45: {  	v3 =	vld [tilespmem:s14+$0x2A80];
	_ =	sdelay $0x4  }
0x46: {  	v2 =	vadd.f32 v2, v3;
	_ =	sdelay $0x1  }
0x47: {  	[tilespmem:s14+$0x2A80] =	vst v2  }
0x48: {  	p0 =	seq.s32 s13, $0xF  }
.Ltmp3:
0x49: {  	_ = 	snop;
	(pc) =	sbr.rel @!p0 .LBB2_7-.Ltmp3, $1  }
0x4a: {  	_ =	sdelay $0x3  }
0x4b: {  	s12 =	sadd.s32 $0x1, s12  }
0x4c: {  	p0 =	sne.s32 s12, s5  }
.Ltmp4:
0x4d: {  	_ = 	snop;
	(pc) =	sbr.rel @p0 .LBB2_1-.Ltmp4, $4  }
0x4e: {  	[hbm4b:s11+s1] =	stream.linear.scatter [tilespmem:s9], [sflag:$0x1], $0x278, $0x38;
	[tilespmem:$0x5480] =	vst v63  }
0x4f: {  	_ =	swait.ge [sflag:s7], $0x278  }
0x50: {  	[sflag:s7] =	ssyncset.done $0x0  }
0x51: {  	[sflag:s7] =	ssyncadd.s32 $0xFFFFFD88  }
0x52: {  	_ =	sfence.sel $0x180000  }
0x53: {  	[bflag:$0x0] =	sbarrier.arrive $0xFFFF  }
0x54: {  	p0 =	sne.s32 s2, $0x0;
	_ =	strace $0x90000047  }
0x55: {  	s0 =	sadd.s32 @!p0 $0x100000, s0;
	[bflag:$0x2] =	sbarrier.arrive $0xFFFF  }
0x56: {  	[sflag:s0] =	ssyncadd.tile.s32 @!p0 $0x1;
	_ =	shalt  }
.Lfunc_end2:
_tile_overlayer_lowered:
.L_overlay_start_2:
0x57: {  	(tag) =	ssettag $0x2  }
0x58: {  	s0 =	rddreg [dreg:$0x0];
	s2 =	stileid.u32  }
0x59: {  	s1 =	rddreg [dreg:$0x1];
	p0 =	sne.s32 s2, $0x0  }
0x5a: {  	s3 =	rddreg [dreg:$0x2];
	[bflag:$0x3] =	sbarrier.arrive $0xFFFF;
	s2 =	simm.s32 @!p0 $0x1C01  }
0x5b: {  	[timem:s3], [sflag:s2] =	dma.local @!p0 [hbm:s0], s1  }
0x5c: {  	s0 =	simm.s32 @!p0 $0x1  }
0x5d: {  	_ =	swait.ge @!p0 [sflag:s0], s1  }
0x5e: {  	s1 =	ssub.s32 @!p0 $0x0, s1;
	[sflag:s0] =	ssyncset.done @!p0 $0x0  }
0x5f: {  	[sflag:s0] =	ssyncadd.s32 @!p0 s1  }
0x60: {  	[bflag:$0x3] =	sbarrier.arrive $0xFFFF  }
0x61: {  	_ =	shalt  }

</sc_bundles>
